<compile_context>
chip_gen: v7x
topology: tpu7x:2x2x1
jax: 0.10.2.dev20260603
libtpu: 0.0.44.dev20260713+nightly
codegen_flags: <defaults>
</compile_context>

<pallas_src>
import functools

import jax
import jax.numpy as jnp
from jax import lax
from jax.experimental import pallas as pl
from jax.experimental.pallas import tpu as pltpu
from jax.experimental.pallas import tpu_sc as plsc

D = 128
C = 128
NC = 2
NS = 16
NW = NC * NS
NG = 4
NT = 3
L = 16


def _make_lookup(V, S, B):
    assert B == NW * C
    mesh = plsc.VectorSubcoreMesh(core_axis_name="c", subcore_axis_name="s")

    @functools.partial(
        pl.kernel,
        out_type=jax.ShapeDtypeStruct((S, D, B), jnp.float32),
        mesh=mesh,
        compiler_params=pltpu.CompilerParams(needs_layout_passes=False),
        scratch_types=[
            pltpu.VMEM((S, C), jnp.int32),
            pltpu.VMEM((NG, C, D), jnp.float32),
            pltpu.VMEM((NT, D, C), jnp.float32),
            pltpu.SemaphoreType.DMA((NG,)),
            pltpu.SemaphoreType.DMA((NT,)),
        ],
    )
    def lookup_kernel(table_hbm, idxt_hbm, out_hbm, idx_v, bufs, bufts,
                      gsem, wsem):
        wid = lax.axis_index("s") * NC + lax.axis_index("c")
        b0 = wid * C
        pltpu.sync_copy(idxt_hbm.at[:, pl.ds(b0, C)], idx_v)


        def gather(s, g):
            return pltpu.make_async_copy(
                table_hbm.at[idx_v.at[s]], bufs.at[g], gsem.at[g])

        def writeback(s, t):
            return pltpu.make_async_copy(
                bufts.at[t], out_hbm.at[s, :, pl.ds(b0, C)], wsem.at[t])

        def transpose(g, t):
            src = bufs.at[g]
            dst = bufts.at[t]

            @plsc.parallel_loop(0, (D // L) * (C // L), unroll=1)
            def _blk(q):
                db = q // (C // L)
                bb = lax.rem(q, C // L)
                liota = lax.iota(jnp.int32, L)
                cols = [db * L + jnp.bitwise_and(liota + k, L - 1)
                        for k in range(L)]
                rows = bb * L + liota
                vals = [plsc.load_gather(src, [rows, cols[k]])
                        for k in range(L)]
                for k in range(L):
                    plsc.store_scatter(dst, [cols[k], rows], vals[k])

        gather(0, 0).start()
        gather(1, 1).start()
        gather(2, 2).start()

        @pl.loop(0, S)
        def _s(s):
            g = lax.rem(s, NG)
            t = lax.rem(s, NT)

            @pl.when(s >= NT)
            def _():
                writeback(s - NT, t).wait()

            gather(s, g).wait()
            transpose(g, t)
            writeback(s, t).start()

            @pl.when(s + NG - 1 < S)
            def _():
                gather(s + NG - 1, lax.rem(s + NG - 1, NG)).start()

        writeback(S - NT, S % NT).wait()
        writeback(S - 1, (S - 1) % NT).wait()

    return lookup_kernel


def kernel(inputs, embeddings):
    batch, seq = inputs.shape
    V, W, H = embeddings.shape
    table = embeddings.reshape(V, W * H)
    idx_t = jnp.transpose(inputs.astype(jnp.int32))
    out = _make_lookup(V, seq, batch)(table, idx_t)
    out4 = out.reshape(seq, W, H, batch)
    return jnp.transpose(out4, (3, 0, 1, 2))

# --- scband reference (transcript-rebuilt; emitter-appended) ---
"""Pipeline reference for scband-embedding2-d-40029095198924 (READ-ONLY COPY).

The authoritative reference and input builder live on the scoring server;
editing this copy changes nothing except your own understanding.
"""

import jax, jax.numpy as jnp
import numpy as np

INPUT_DIM = 100000
OUT_W = 16
OUT_H = 8

def setup_inputs(seed: int = 0) -> dict:
    key = jax.random.key(seed)
    k1, k2 = jax.random.split(key)
    inputs = jax.random.randint(k1, (4096, 26), 0, INPUT_DIM, dtype=jnp.int64)
    # 'uniform' keras initializer: U(-0.05, 0.05)
    embeddings = jax.random.uniform(k2, (INPUT_DIM, OUT_W, OUT_H), dtype=jnp.float32, minval=-0.05, maxval=0.05)
    return {"inputs": inputs, "embeddings": embeddings}

def reference(inputs, embeddings):
    # embedding_ops.embedding_lookup(embeddings, inputs) -> gather rows of 3D table
    return jnp.take(embeddings, inputs, axis=0)

if __name__ == "__main__":
    import jax
    _d = setup_inputs()
    print(jax.jit(kernel)(*tuple(_d.values())))

</pallas_src>

<mosaic_0001>
#map = affine_map<(d0, d1) -> (0, 0)>
#map1 = affine_map<(d0, d1) -> (0, 0, 0)>
module attributes {stable_mosaic.version = 14 : i64} {
  func.func @lookup_kernel(%arg0: i32, %arg1: i32, %arg2: memref<100000x128xf32, #tpu.memory_space<hbm>>, %arg3: memref<26x4096xi32, #tpu.memory_space<hbm>>, %arg4: memref<26x128x4096xf32, #tpu.memory_space<hbm>>, %arg5: memref<26x128xi32, #tpu.memory_space<vmem>>, %arg6: memref<4x128x128xf32, #tpu.memory_space<vmem>>, %arg7: memref<3x128x128xf32, #tpu.memory_space<vmem>>, %arg8: memref<4x!tpu.dma_semaphore, #tpu.memory_space<semaphore_mem>>, %arg9: memref<3x!tpu.dma_semaphore, #tpu.memory_space<semaphore_mem>>) attributes {dimension_semantics = [#tpu.dimension_semantics<core_parallel>, #tpu.dimension_semantics<subcore_parallel>], iteration_bounds = array<i64: 2, 16>, scalar_prefetch = 0 : i64, scratch_operands = 5 : i64, tpu.core_type = #tpu.core_type<sc_vector_subcore>, window_params = [{transform_indices = #map}, {transform_indices = #map}, {transform_indices = #map1}]} {
    %mul3A = arith.constant 2 : i32
    %mul3A_0 = arith.muli %arg1, %mul3A : i32
    %add3A = arith.addi %mul3A_0, %arg0 : i32
    %mul3A_1 = arith.constant 128 : i32
    %mul3A_2 = arith.muli %add3A, %mul3A_1 : i32
    "tpu.region"() ({
      %run_scoped3A = tpu.sem_alloc : memref<!tpu.dma_semaphore, #tpu.memory_space<semaphore_mem>>
      %dma_start3A_88 = arith.constant 0 : i32
      %dma_start3A_89 = tpu.memref_slice %arg3[%dma_start3A_88, %mul3A_2] : memref<26x4096xi32, #tpu.memory_space<hbm>> -> memref<26x128xi32, #tpu.memory_space<hbm>>
      %dma_start3A_90 = arith.constant 0 : i32
      %dma_start3A_91 = tpu.memref_slice %arg3[%dma_start3A_90, %mul3A_2] : memref<26x4096xi32, #tpu.memory_space<hbm>> -> memref<26x128xi32, #tpu.memory_space<hbm>>
      tpu.enqueue_dma source(%dma_start3A_91 : memref<26x128xi32, #tpu.memory_space<hbm>>) target(%arg5 : memref<26x128xi32, #tpu.memory_space<vmem>>) target_semaphore(%run_scoped3A : memref<!tpu.dma_semaphore, #tpu.memory_space<semaphore_mem>>)
      %dma_wait3A_92 = arith.constant 0 : i32
      %dma_wait3A_93 = tpu.memref_slice %arg3[%dma_wait3A_92, %mul3A_2] : memref<26x4096xi32, #tpu.memory_space<hbm>> -> memref<26x128xi32, #tpu.memory_space<hbm>>
      %dma_wait3A_94 = arith.constant 0 : i32
      %dma_wait3A_95 = tpu.memref_slice %arg3[%dma_wait3A_94, %mul3A_2] : memref<26x4096xi32, #tpu.memory_space<hbm>> -> memref<26x128xi32, #tpu.memory_space<hbm>>
      tpu.wait_dma2 semaphore(%run_scoped3A : memref<!tpu.dma_semaphore, #tpu.memory_space<semaphore_mem>>) src(%dma_wait3A_95 : memref<26x128xi32, #tpu.memory_space<hbm>>) dst(%arg5 : memref<26x128xi32, #tpu.memory_space<vmem>>)
      tpu.yield
    }) : () -> ()
    %dma_start3A = arith.constant 0 : i32
    %dma_start3A_3 = arith.constant 0 : i32
    %dma_start3A_4 = arith.constant 0 : i32
    %dma_start3A_5 = arith.constant 0 : i32
    %dma_start3A_6 = arith.constant 0 : i32
    %dma_start3A_7 = tpu.memref_slice %arg6[%dma_start3A_3, %dma_start3A_5, %dma_start3A_6] : memref<4x128x128xf32, #tpu.memory_space<vmem>> -> memref<1x128x128xf32, #tpu.memory_space<vmem>>
    %dma_start3A_8 = tpu.memref_squeeze %dma_start3A_7 : memref<1x128x128xf32, #tpu.memory_space<vmem>> -> memref<128x128xf32, #tpu.memory_space<vmem>>
    %dma_start3A_9 = arith.constant 0 : i32
    %dma_start3A_10 = tpu.memref_slice %arg5[%dma_start3A, %dma_start3A_9] : memref<26x128xi32, #tpu.memory_space<vmem>> -> memref<1x128xi32, #tpu.memory_space<vmem>>
    %dma_start3A_11 = tpu.memref_squeeze %dma_start3A_10 : memref<1x128xi32, #tpu.memory_space<vmem>> -> memref<128xi32, #tpu.memory_space<vmem>>
    %dma_start3A_12 = arith.constant 0 : i32
    %dma_start3A_13 = arith.constant 0 : i32
    %dma_start3A_14 = tpu.memref_slice %arg2[%dma_start3A_12, %dma_start3A_13] : memref<100000x128xf32, #tpu.memory_space<hbm>> -> memref<100000x128xf32, #tpu.memory_space<hbm>>
    %dma_start3A_15 = tpu.memref_slice %arg8[%dma_start3A_4] : memref<4x!tpu.dma_semaphore, #tpu.memory_space<semaphore_mem>> -> memref<1x!tpu.dma_semaphore, #tpu.memory_space<semaphore_mem>>
    %dma_start3A_16 = tpu.memref_squeeze %dma_start3A_15 : memref<1x!tpu.dma_semaphore, #tpu.memory_space<semaphore_mem>> -> memref<!tpu.dma_semaphore, #tpu.memory_space<semaphore_mem>>
    tpu.enqueue_indirect_dma source(%dma_start3A_14 : memref<100000x128xf32, #tpu.memory_space<hbm>>) target(%dma_start3A_8 : memref<128x128xf32, #tpu.memory_space<vmem>>) offsets(%dma_start3A_11 : memref<128xi32, #tpu.memory_space<vmem>>) semaphore(%dma_start3A_16 : memref<!tpu.dma_semaphore, #tpu.memory_space<semaphore_mem>>)
    %dma_start3A_17 = arith.constant 1 : i32
    %dma_start3A_18 = arith.constant 1 : i32
    %dma_start3A_19 = arith.constant 1 : i32
    %dma_start3A_20 = arith.constant 0 : i32
    %dma_start3A_21 = arith.constant 0 : i32
    %dma_start3A_22 = tpu.memref_slice %arg6[%dma_start3A_18, %dma_start3A_20, %dma_start3A_21] : memref<4x128x128xf32, #tpu.memory_space<vmem>> -> memref<1x128x128xf32, #tpu.memory_space<vmem>>
    %dma_start3A_23 = tpu.memref_squeeze %dma_start3A_22 : memref<1x128x128xf32, #tpu.memory_space<vmem>> -> memref<128x128xf32, #tpu.memory_space<vmem>>
    %dma_start3A_24 = arith.constant 0 : i32
    %dma_start3A_25 = tpu.memref_slice %arg5[%dma_start3A_17, %dma_start3A_24] : memref<26x128xi32, #tpu.memory_space<vmem>> -> memref<1x128xi32, #tpu.memory_space<vmem>>
    %dma_start3A_26 = tpu.memref_squeeze %dma_start3A_25 : memref<1x128xi32, #tpu.memory_space<vmem>> -> memref<128xi32, #tpu.memory_space<vmem>>
    %dma_start3A_27 = arith.constant 0 : i32
    %dma_start3A_28 = arith.constant 0 : i32
    %dma_start3A_29 = tpu.memref_slice %arg2[%dma_start3A_27, %dma_start3A_28] : memref<100000x128xf32, #tpu.memory_space<hbm>> -> memref<100000x128xf32, #tpu.memory_space<hbm>>
    %dma_start3A_30 = tpu.memref_slice %arg8[%dma_start3A_19] : memref<4x!tpu.dma_semaphore, #tpu.memory_space<semaphore_mem>> -> memref<1x!tpu.dma_semaphore, #tpu.memory_space<semaphore_mem>>
    %dma_start3A_31 = tpu.memref_squeeze %dma_start3A_30 : memref<1x!tpu.dma_semaphore, #tpu.memory_space<semaphore_mem>> -> memref<!tpu.dma_semaphore, #tpu.memory_space<semaphore_mem>>
    tpu.enqueue_indirect_dma source(%dma_start3A_29 : memref<100000x128xf32, #tpu.memory_space<hbm>>) target(%dma_start3A_23 : memref<128x128xf32, #tpu.memory_space<vmem>>) offsets(%dma_start3A_26 : memref<128xi32, #tpu.memory_space<vmem>>) semaphore(%dma_start3A_31 : memref<!tpu.dma_semaphore, #tpu.memory_space<semaphore_mem>>)
    %dma_start3A_32 = arith.constant 2 : i32
    %dma_start3A_33 = arith.constant 2 : i32
    %dma_start3A_34 = arith.constant 2 : i32
    %dma_start3A_35 = arith.constant 0 : i32
    %dma_start3A_36 = arith.constant 0 : i32
    %dma_start3A_37 = tpu.memref_slice %arg6[%dma_start3A_33, %dma_start3A_35, %dma_start3A_36] : memref<4x128x128xf32, #tpu.memory_space<vmem>> -> memref<1x128x128xf32, #tpu.memory_space<vmem>>
    %dma_start3A_38 = tpu.memref_squeeze %dma_start3A_37 : memref<1x128x128xf32, #tpu.memory_space<vmem>> -> memref<128x128xf32, #tpu.memory_space<vmem>>
    %dma_start3A_39 = arith.constant 0 : i32
    %dma_start3A_40 = tpu.memref_slice %arg5[%dma_start3A_32, %dma_start3A_39] : memref<26x128xi32, #tpu.memory_space<vmem>> -> memref<1x128xi32, #tpu.memory_space<vmem>>
    %dma_start3A_41 = tpu.memref_squeeze %dma_start3A_40 : memref<1x128xi32, #tpu.memory_space<vmem>> -> memref<128xi32, #tpu.memory_space<vmem>>
    %dma_start3A_42 = arith.constant 0 : i32
    %dma_start3A_43 = arith.constant 0 : i32
    %dma_start3A_44 = tpu.memref_slice %arg2[%dma_start3A_42, %dma_start3A_43] : memref<100000x128xf32, #tpu.memory_space<hbm>> -> memref<100000x128xf32, #tpu.memory_space<hbm>>
    %dma_start3A_45 = tpu.memref_slice %arg8[%dma_start3A_34] : memref<4x!tpu.dma_semaphore, #tpu.memory_space<semaphore_mem>> -> memref<1x!tpu.dma_semaphore, #tpu.memory_space<semaphore_mem>>
    %dma_start3A_46 = tpu.memref_squeeze %dma_start3A_45 : memref<1x!tpu.dma_semaphore, #tpu.memory_space<semaphore_mem>> -> memref<!tpu.dma_semaphore, #tpu.memory_space<semaphore_mem>>
    tpu.enqueue_indirect_dma source(%dma_start3A_44 : memref<100000x128xf32, #tpu.memory_space<hbm>>) target(%dma_start3A_38 : memref<128x128xf32, #tpu.memory_space<vmem>>) offsets(%dma_start3A_41 : memref<128xi32, #tpu.memory_space<vmem>>) semaphore(%dma_start3A_46 : memref<!tpu.dma_semaphore, #tpu.memory_space<semaphore_mem>>)
    %scan3A = arith.constant 0 : i32
    %scan3A_47 = arith.constant 26 : i32
    %scan3A_48 = arith.addi %scan3A, %scan3A_47 : i32
    %scan3A_49 = arith.constant 1 : i32
    scf.for %scan3A_88 = %scan3A to %scan3A_48 step %scan3A_49  : i32 {
      %mul3A_89 = arith.constant 1 : i32
      %mul3A_90 = arith.muli %scan3A_88, %mul3A_89 : i32
      %add3A_91 = arith.constant 0 : i32
      %add3A_92 = arith.addi %add3A_91, %mul3A_90 : i32
      %rem3A = arith.constant 4 : i32
      %rem3A_93 = arith.remsi %add3A_92, %rem3A : i32
      %rem3A_94 = arith.constant 3 : i32
      %rem3A_95 = arith.remsi %add3A_92, %rem3A_94 : i32
      %ge3A = arith.constant 3 : i32
      %ge3A_96 = arith.cmpi sge, %add3A_92, %ge3A : i32
      %convert_element_type3A = arith.extui %ge3A_96 : i1 to i32
      %cond3A = arith.constant 0 : i32
      %cond3A_97 = arith.cmpi ne, %convert_element_type3A, %cond3A : i32
      scf.if %cond3A_97 {
        %sub3A_135 = arith.constant 3 : i32
        %sub3A_136 = arith.subi %add3A_92, %sub3A_135 : i32
        %dma_wait3A_137 = arith.constant 0 : i32
        %dma_wait3A_138 = arith.constant 0 : i32
        %dma_wait3A_139 = tpu.memref_slice %arg7[%rem3A_95, %dma_wait3A_137, %dma_wait3A_138] : memref<3x128x128xf32, #tpu.memory_space<vmem>> -> memref<1x128x128xf32, #tpu.memory_space<vmem>>
        %dma_wait3A_140 = tpu.memref_squeeze %dma_wait3A_139 : memref<1x128x128xf32, #tpu.memory_space<vmem>> -> memref<128x128xf32, #tpu.memory_space<vmem>>
        %dma_wait3A_141 = arith.constant 0 : i32
        %dma_wait3A_142 = tpu.memref_slice %arg4[%sub3A_136, %dma_wait3A_141, %mul3A_2] : memref<26x128x4096xf32, #tpu.memory_space<hbm>> -> memref<1x128x128xf32, #tpu.memory_space<hbm>>
        %dma_wait3A_143 = tpu.memref_squeeze %dma_wait3A_142 : memref<1x128x128xf32, #tpu.memory_space<hbm>> -> memref<128x128xf32, #tpu.memory_space<hbm>>
        %dma_wait3A_144 = tpu.memref_slice %arg9[%rem3A_95] : memref<3x!tpu.dma_semaphore, #tpu.memory_space<semaphore_mem>> -> memref<1x!tpu.dma_semaphore, #tpu.memory_space<semaphore_mem>>
        %dma_wait3A_145 = tpu.memref_squeeze %dma_wait3A_144 : memref<1x!tpu.dma_semaphore, #tpu.memory_space<semaphore_mem>> -> memref<!tpu.dma_semaphore, #tpu.memory_space<semaphore_mem>>
        %dma_wait3A_146 = arith.constant 0 : i32
        %dma_wait3A_147 = tpu.memref_slice %arg4[%sub3A_136, %dma_wait3A_146, %mul3A_2] : memref<26x128x4096xf32, #tpu.memory_space<hbm>> -> memref<1x128x128xf32, #tpu.memory_space<hbm>>
        %dma_wait3A_148 = tpu.memref_squeeze %dma_wait3A_147 : memref<1x128x128xf32, #tpu.memory_space<hbm>> -> memref<128x128xf32, #tpu.memory_space<hbm>>
        %dma_wait3A_149 = arith.constant 0 : i32
        %dma_wait3A_150 = arith.constant 0 : i32
        %dma_wait3A_151 = tpu.memref_slice %arg7[%rem3A_95, %dma_wait3A_149, %dma_wait3A_150] : memref<3x128x128xf32, #tpu.memory_space<vmem>> -> memref<1x128x128xf32, #tpu.memory_space<vmem>>
        %dma_wait3A_152 = tpu.memref_squeeze %dma_wait3A_151 : memref<1x128x128xf32, #tpu.memory_space<vmem>> -> memref<128x128xf32, #tpu.memory_space<vmem>>
        tpu.wait_dma2 semaphore(%dma_wait3A_145 : memref<!tpu.dma_semaphore, #tpu.memory_space<semaphore_mem>>) src(%dma_wait3A_152 : memref<128x128xf32, #tpu.memory_space<vmem>>) dst(%dma_wait3A_148 : memref<128x128xf32, #tpu.memory_space<hbm>>)
      } else {
      }
      %dma_wait3A_98 = arith.constant 0 : i32
      %dma_wait3A_99 = arith.constant 0 : i32
      %dma_wait3A_100 = tpu.memref_slice %arg6[%rem3A_93, %dma_wait3A_98, %dma_wait3A_99] : memref<4x128x128xf32, #tpu.memory_space<vmem>> -> memref<1x128x128xf32, #tpu.memory_space<vmem>>
      %dma_wait3A_101 = tpu.memref_squeeze %dma_wait3A_100 : memref<1x128x128xf32, #tpu.memory_space<vmem>> -> memref<128x128xf32, #tpu.memory_space<vmem>>
      %dma_wait3A_102 = arith.constant 0 : i32
      %dma_wait3A_103 = tpu.memref_slice %arg5[%add3A_92, %dma_wait3A_102] : memref<26x128xi32, #tpu.memory_space<vmem>> -> memref<1x128xi32, #tpu.memory_space<vmem>>
      %dma_wait3A_104 = tpu.memref_squeeze %dma_wait3A_103 : memref<1x128xi32, #tpu.memory_space<vmem>> -> memref<128xi32, #tpu.memory_space<vmem>>
      %dma_wait3A_105 = arith.constant 0 : i32
      %dma_wait3A_106 = arith.constant 0 : i32
      %dma_wait3A_107 = tpu.memref_slice %arg2[%dma_wait3A_105, %dma_wait3A_106] : memref<100000x128xf32, #tpu.memory_space<hbm>> -> memref<100000x128xf32, #tpu.memory_space<hbm>>
      %dma_wait3A_108 = tpu.memref_slice %arg8[%rem3A_93] : memref<4x!tpu.dma_semaphore, #tpu.memory_space<semaphore_mem>> -> memref<1x!tpu.dma_semaphore, #tpu.memory_space<semaphore_mem>>
      %dma_wait3A_109 = tpu.memref_squeeze %dma_wait3A_108 : memref<1x!tpu.dma_semaphore, #tpu.memory_space<semaphore_mem>> -> memref<!tpu.dma_semaphore, #tpu.memory_space<semaphore_mem>>
      tpu.wait_indirect_dma semaphore(%dma_wait3A_109 : memref<!tpu.dma_semaphore, #tpu.memory_space<semaphore_mem>>) src(%dma_wait3A_107 : memref<100000x128xf32, #tpu.memory_space<hbm>>) dst(%dma_wait3A_101 : memref<128x128xf32, #tpu.memory_space<vmem>>)
      %parallel_loop3A = arith.constant 0 : i32
      %parallel_loop3A_110 = arith.constant 64 : i32
      %parallel_loop3A_111 = arith.constant 1 : i32
      scf.for %parallel_loop3A_135 = %parallel_loop3A to %parallel_loop3A_110 step %parallel_loop3A_111  : i32 {
        %parallel_loop3A_136 = arith.constant 8 : i32
        %parallel_loop3A_137 = arith.divsi %parallel_loop3A_135, %parallel_loop3A_136 : i32
        %parallel_loop3A_138 = arith.constant 0 : i32
        %parallel_loop3A_139 = arith.cmpi sgt, %parallel_loop3A_135, %parallel_loop3A_138 : i32
        %parallel_loop3A_140 = arith.extui %parallel_loop3A_139 : i1 to i32
        %parallel_loop3A_141 = arith.constant 0 : i32
        %parallel_loop3A_142 = arith.cmpi slt, %parallel_loop3A_135, %parallel_loop3A_141 : i32
        %parallel_loop3A_143 = arith.extui %parallel_loop3A_142 : i1 to i32
        %parallel_loop3A_144 = arith.subi %parallel_loop3A_140, %parallel_loop3A_143 : i32
        %parallel_loop3A_145 = arith.constant 0 : i32
        %parallel_loop3A_146 = arith.cmpi sgt, %parallel_loop3A_136, %parallel_loop3A_145 : i32
        %parallel_loop3A_147 = arith.extui %parallel_loop3A_146 : i1 to i32
        %parallel_loop3A_148 = arith.constant 0 : i32
        %parallel_loop3A_149 = arith.cmpi slt, %parallel_loop3A_136, %parallel_loop3A_148 : i32
        %parallel_loop3A_150 = arith.extui %parallel_loop3A_149 : i1 to i32
        %parallel_loop3A_151 = arith.subi %parallel_loop3A_147, %parallel_loop3A_150 : i32
        %parallel_loop3A_152 = arith.cmpi ne, %parallel_loop3A_144, %parallel_loop3A_151 : i32
        %parallel_loop3A_153 = arith.remsi %parallel_loop3A_135, %parallel_loop3A_136 : i32
        %parallel_loop3A_154 = arith.constant 0 : i32
        %parallel_loop3A_155 = arith.cmpi ne, %parallel_loop3A_153, %parallel_loop3A_154 : i32
        %parallel_loop3A_156 = arith.andi %parallel_loop3A_152, %parallel_loop3A_155 : i1
        %parallel_loop3A_157 = arith.constant 1 : i32
        %parallel_loop3A_158 = arith.subi %parallel_loop3A_137, %parallel_loop3A_157 : i32
        %parallel_loop3A_159 = arith.select %parallel_loop3A_156, %parallel_loop3A_158, %parallel_loop3A_137 : i32
        %parallel_loop3A_160 = arith.constant 8 : i32
        %parallel_loop3A_161 = arith.remsi %parallel_loop3A_135, %parallel_loop3A_160 : i32
        %parallel_loop3A_162 = tpu.iota {dimensions = array<i32: 0>} : vector<16xi32>
        %parallel_loop3A_163 = arith.constant 16 : i32
        %parallel_loop3A_164 = arith.muli %parallel_loop3A_159, %parallel_loop3A_163 : i32
        %parallel_loop3A_165 = arith.constant 0 : i32
        %parallel_loop3A_166 = vector.broadcast %parallel_loop3A_165 : i32 to vector<16xi32>
        %parallel_loop3A_167 = arith.addi %parallel_loop3A_162, %parallel_loop3A_166 : vector<16xi32>
        %parallel_loop3A_168 = arith.constant 15 : i32
        %parallel_loop3A_169 = vector.broadcast %parallel_loop3A_168 : i32 to vector<16xi32>
        %parallel_loop3A_170 = arith.andi %parallel_loop3A_167, %parallel_loop3A_169 : vector<16xi32>
        %parallel_loop3A_171 = vector.broadcast %parallel_loop3A_164 : i32 to vector<16xi32>
        %parallel_loop3A_172 = arith.addi %parallel_loop3A_171, %parallel_loop3A_170 : vector<16xi32>
        %parallel_loop3A_173 = arith.constant 16 : i32
        %parallel_loop3A_174 = arith.muli %parallel_loop3A_159, %parallel_loop3A_173 : i32
        %parallel_loop3A_175 = arith.constant 1 : i32
        %parallel_loop3A_176 = vector.broadcast %parallel_loop3A_175 : i32 to vector<16xi32>
        %parallel_loop3A_177 = arith.addi %parallel_loop3A_162, %parallel_loop3A_176 : vector<16xi32>
        %parallel_loop3A_178 = arith.constant 15 : i32
        %parallel_loop3A_179 = vector.broadcast %parallel_loop3A_178 : i32 to vector<16xi32>
        %parallel_loop3A_180 = arith.andi %parallel_loop3A_177, %parallel_loop3A_179 : vector<16xi32>
        %parallel_loop3A_181 = vector.broadcast %parallel_loop3A_174 : i32 to vector<16xi32>
        %parallel_loop3A_182 = arith.addi %parallel_loop3A_181, %parallel_loop3A_180 : vector<16xi32>
        %parallel_loop3A_183 = arith.constant 16 : i32
        %parallel_loop3A_184 = arith.muli %parallel_loop3A_159, %parallel_loop3A_183 : i32
        %parallel_loop3A_185 = arith.constant 2 : i32
        %parallel_loop3A_186 = vector.broadcast %parallel_loop3A_185 : i32 to vector<16xi32>
        %parallel_loop3A_187 = arith.addi %parallel_loop3A_162, %parallel_loop3A_186 : vector<16xi32>
        %parallel_loop3A_188 = arith.constant 15 : i32
        %parallel_loop3A_189 = vector.broadcast %parallel_loop3A_188 : i32 to vector<16xi32>
        %parallel_loop3A_190 = arith.andi %parallel_loop3A_187, %parallel_loop3A_189 : vector<16xi32>
        %parallel_loop3A_191 = vector.broadcast %parallel_loop3A_184 : i32 to vector<16xi32>
        %parallel_loop3A_192 = arith.addi %parallel_loop3A_191, %parallel_loop3A_190 : vector<16xi32>
        %parallel_loop3A_193 = arith.constant 16 : i32
        %parallel_loop3A_194 = arith.muli %parallel_loop3A_159, %parallel_loop3A_193 : i32
        %parallel_loop3A_195 = arith.constant 3 : i32
        %parallel_loop3A_196 = vector.broadcast %parallel_loop3A_195 : i32 to vector<16xi32>
        %parallel_loop3A_197 = arith.addi %parallel_loop3A_162, %parallel_loop3A_196 : vector<16xi32>
        %parallel_loop3A_198 = arith.constant 15 : i32
        %parallel_loop3A_199 = vector.broadcast %parallel_loop3A_198 : i32 to vector<16xi32>
        %parallel_loop3A_200 = arith.andi %parallel_loop3A_197, %parallel_loop3A_199 : vector<16xi32>
        %parallel_loop3A_201 = vector.broadcast %parallel_loop3A_194 : i32 to vector<16xi32>
        %parallel_loop3A_202 = arith.addi %parallel_loop3A_201, %parallel_loop3A_200 : vector<16xi32>
        %parallel_loop3A_203 = arith.constant 16 : i32
        %parallel_loop3A_204 = arith.muli %parallel_loop3A_159, %parallel_loop3A_203 : i32
        %parallel_loop3A_205 = arith.constant 4 : i32
        %parallel_loop3A_206 = vector.broadcast %parallel_loop3A_205 : i32 to vector<16xi32>
        %parallel_loop3A_207 = arith.addi %parallel_loop3A_162, %parallel_loop3A_206 : vector<16xi32>
        %parallel_loop3A_208 = arith.constant 15 : i32
        %parallel_loop3A_209 = vector.broadcast %parallel_loop3A_208 : i32 to vector<16xi32>
        %parallel_loop3A_210 = arith.andi %parallel_loop3A_207, %parallel_loop3A_209 : vector<16xi32>
        %parallel_loop3A_211 = vector.broadcast %parallel_loop3A_204 : i32 to vector<16xi32>
        %parallel_loop3A_212 = arith.addi %parallel_loop3A_211, %parallel_loop3A_210 : vector<16xi32>
        %parallel_loop3A_213 = arith.constant 16 : i32
        %parallel_loop3A_214 = arith.muli %parallel_loop3A_159, %parallel_loop3A_213 : i32
        %parallel_loop3A_215 = arith.constant 5 : i32
        %parallel_loop3A_216 = vector.broadcast %parallel_loop3A_215 : i32 to vector<16xi32>
        %parallel_loop3A_217 = arith.addi %parallel_loop3A_162, %parallel_loop3A_216 : vector<16xi32>
        %parallel_loop3A_218 = arith.constant 15 : i32
        %parallel_loop3A_219 = vector.broadcast %parallel_loop3A_218 : i32 to vector<16xi32>
        %parallel_loop3A_220 = arith.andi %parallel_loop3A_217, %parallel_loop3A_219 : vector<16xi32>
        %parallel_loop3A_221 = vector.broadcast %parallel_loop3A_214 : i32 to vector<16xi32>
        %parallel_loop3A_222 = arith.addi %parallel_loop3A_221, %parallel_loop3A_220 : vector<16xi32>
        %parallel_loop3A_223 = arith.constant 16 : i32
        %parallel_loop3A_224 = arith.muli %parallel_loop3A_159, %parallel_loop3A_223 : i32
        %parallel_loop3A_225 = arith.constant 6 : i32
        %parallel_loop3A_226 = vector.broadcast %parallel_loop3A_225 : i32 to vector<16xi32>
        %parallel_loop3A_227 = arith.addi %parallel_loop3A_162, %parallel_loop3A_226 : vector<16xi32>
        %parallel_loop3A_228 = arith.constant 15 : i32
        %parallel_loop3A_229 = vector.broadcast %parallel_loop3A_228 : i32 to vector<16xi32>
        %parallel_loop3A_230 = arith.andi %parallel_loop3A_227, %parallel_loop3A_229 : vector<16xi32>
        %parallel_loop3A_231 = vector.broadcast %parallel_loop3A_224 : i32 to vector<16xi32>
        %parallel_loop3A_232 = arith.addi %parallel_loop3A_231, %parallel_loop3A_230 : vector<16xi32>
        %parallel_loop3A_233 = arith.constant 16 : i32
        %parallel_loop3A_234 = arith.muli %parallel_loop3A_159, %parallel_loop3A_233 : i32
        %parallel_loop3A_235 = arith.constant 7 : i32
        %parallel_loop3A_236 = vector.broadcast %parallel_loop3A_235 : i32 to vector<16xi32>
        %parallel_loop3A_237 = arith.addi %parallel_loop3A_162, %parallel_loop3A_236 : vector<16xi32>
        %parallel_loop3A_238 = arith.constant 15 : i32
        %parallel_loop3A_239 = vector.broadcast %parallel_loop3A_238 : i32 to vector<16xi32>
        %parallel_loop3A_240 = arith.andi %parallel_loop3A_237, %parallel_loop3A_239 : vector<16xi32>
        %parallel_loop3A_241 = vector.broadcast %parallel_loop3A_234 : i32 to vector<16xi32>
        %parallel_loop3A_242 = arith.addi %parallel_loop3A_241, %parallel_loop3A_240 : vector<16xi32>
        %parallel_loop3A_243 = arith.constant 16 : i32
        %parallel_loop3A_244 = arith.muli %parallel_loop3A_159, %parallel_loop3A_243 : i32
        %parallel_loop3A_245 = arith.constant 8 : i32
        %parallel_loop3A_246 = vector.broadcast %parallel_loop3A_245 : i32 to vector<16xi32>
        %parallel_loop3A_247 = arith.addi %parallel_loop3A_162, %parallel_loop3A_246 : vector<16xi32>
        %parallel_loop3A_248 = arith.constant 15 : i32
        %parallel_loop3A_249 = vector.broadcast %parallel_loop3A_248 : i32 to vector<16xi32>
        %parallel_loop3A_250 = arith.andi %parallel_loop3A_247, %parallel_loop3A_249 : vector<16xi32>
        %parallel_loop3A_251 = vector.broadcast %parallel_loop3A_244 : i32 to vector<16xi32>
        %parallel_loop3A_252 = arith.addi %parallel_loop3A_251, %parallel_loop3A_250 : vector<16xi32>
        %parallel_loop3A_253 = arith.constant 16 : i32
        %parallel_loop3A_254 = arith.muli %parallel_loop3A_159, %parallel_loop3A_253 : i32
        %parallel_loop3A_255 = arith.constant 9 : i32
        %parallel_loop3A_256 = vector.broadcast %parallel_loop3A_255 : i32 to vector<16xi32>
        %parallel_loop3A_257 = arith.addi %parallel_loop3A_162, %parallel_loop3A_256 : vector<16xi32>
        %parallel_loop3A_258 = arith.constant 15 : i32
        %parallel_loop3A_259 = vector.broadcast %parallel_loop3A_258 : i32 to vector<16xi32>
        %parallel_loop3A_260 = arith.andi %parallel_loop3A_257, %parallel_loop3A_259 : vector<16xi32>
        %parallel_loop3A_261 = vector.broadcast %parallel_loop3A_254 : i32 to vector<16xi32>
        %parallel_loop3A_262 = arith.addi %parallel_loop3A_261, %parallel_loop3A_260 : vector<16xi32>
        %parallel_loop3A_263 = arith.constant 16 : i32
        %parallel_loop3A_264 = arith.muli %parallel_loop3A_159, %parallel_loop3A_263 : i32
        %parallel_loop3A_265 = arith.constant 10 : i32
        %parallel_loop3A_266 = vector.broadcast %parallel_loop3A_265 : i32 to vector<16xi32>
        %parallel_loop3A_267 = arith.addi %parallel_loop3A_162, %parallel_loop3A_266 : vector<16xi32>
        %parallel_loop3A_268 = arith.constant 15 : i32
        %parallel_loop3A_269 = vector.broadcast %parallel_loop3A_268 : i32 to vector<16xi32>
        %parallel_loop3A_270 = arith.andi %parallel_loop3A_267, %parallel_loop3A_269 : vector<16xi32>
        %parallel_loop3A_271 = vector.broadcast %parallel_loop3A_264 : i32 to vector<16xi32>
        %parallel_loop3A_272 = arith.addi %parallel_loop3A_271, %parallel_loop3A_270 : vector<16xi32>
        %parallel_loop3A_273 = arith.constant 16 : i32
        %parallel_loop3A_274 = arith.muli %parallel_loop3A_159, %parallel_loop3A_273 : i32
        %parallel_loop3A_275 = arith.constant 11 : i32
        %parallel_loop3A_276 = vector.broadcast %parallel_loop3A_275 : i32 to vector<16xi32>
        %parallel_loop3A_277 = arith.addi %parallel_loop3A_162, %parallel_loop3A_276 : vector<16xi32>
        %parallel_loop3A_278 = arith.constant 15 : i32
        %parallel_loop3A_279 = vector.broadcast %parallel_loop3A_278 : i32 to vector<16xi32>
        %parallel_loop3A_280 = arith.andi %parallel_loop3A_277, %parallel_loop3A_279 : vector<16xi32>
        %parallel_loop3A_281 = vector.broadcast %parallel_loop3A_274 : i32 to vector<16xi32>
        %parallel_loop3A_282 = arith.addi %parallel_loop3A_281, %parallel_loop3A_280 : vector<16xi32>
        %parallel_loop3A_283 = arith.constant 16 : i32
        %parallel_loop3A_284 = arith.muli %parallel_loop3A_159, %parallel_loop3A_283 : i32
        %parallel_loop3A_285 = arith.constant 12 : i32
        %parallel_loop3A_286 = vector.broadcast %parallel_loop3A_285 : i32 to vector<16xi32>
        %parallel_loop3A_287 = arith.addi %parallel_loop3A_162, %parallel_loop3A_286 : vector<16xi32>
        %parallel_loop3A_288 = arith.constant 15 : i32
        %parallel_loop3A_289 = vector.broadcast %parallel_loop3A_288 : i32 to vector<16xi32>
        %parallel_loop3A_290 = arith.andi %parallel_loop3A_287, %parallel_loop3A_289 : vector<16xi32>
        %parallel_loop3A_291 = vector.broadcast %parallel_loop3A_284 : i32 to vector<16xi32>
        %parallel_loop3A_292 = arith.addi %parallel_loop3A_291, %parallel_loop3A_290 : vector<16xi32>
        %parallel_loop3A_293 = arith.constant 16 : i32
        %parallel_loop3A_294 = arith.muli %parallel_loop3A_159, %parallel_loop3A_293 : i32
        %parallel_loop3A_295 = arith.constant 13 : i32
        %parallel_loop3A_296 = vector.broadcast %parallel_loop3A_295 : i32 to vector<16xi32>
        %parallel_loop3A_297 = arith.addi %parallel_loop3A_162, %parallel_loop3A_296 : vector<16xi32>
        %parallel_loop3A_298 = arith.constant 15 : i32
        %parallel_loop3A_299 = vector.broadcast %parallel_loop3A_298 : i32 to vector<16xi32>
        %parallel_loop3A_300 = arith.andi %parallel_loop3A_297, %parallel_loop3A_299 : vector<16xi32>
        %parallel_loop3A_301 = vector.broadcast %parallel_loop3A_294 : i32 to vector<16xi32>
        %parallel_loop3A_302 = arith.addi %parallel_loop3A_301, %parallel_loop3A_300 : vector<16xi32>
        %parallel_loop3A_303 = arith.constant 16 : i32
        %parallel_loop3A_304 = arith.muli %parallel_loop3A_159, %parallel_loop3A_303 : i32
        %parallel_loop3A_305 = arith.constant 14 : i32
        %parallel_loop3A_306 = vector.broadcast %parallel_loop3A_305 : i32 to vector<16xi32>
        %parallel_loop3A_307 = arith.addi %parallel_loop3A_162, %parallel_loop3A_306 : vector<16xi32>
        %parallel_loop3A_308 = arith.constant 15 : i32
        %parallel_loop3A_309 = vector.broadcast %parallel_loop3A_308 : i32 to vector<16xi32>
        %parallel_loop3A_310 = arith.andi %parallel_loop3A_307, %parallel_loop3A_309 : vector<16xi32>
        %parallel_loop3A_311 = vector.broadcast %parallel_loop3A_304 : i32 to vector<16xi32>
        %parallel_loop3A_312 = arith.addi %parallel_loop3A_311, %parallel_loop3A_310 : vector<16xi32>
        %parallel_loop3A_313 = arith.constant 16 : i32
        %parallel_loop3A_314 = arith.muli %parallel_loop3A_159, %parallel_loop3A_313 : i32
        %parallel_loop3A_315 = arith.constant 15 : i32
        %parallel_loop3A_316 = vector.broadcast %parallel_loop3A_315 : i32 to vector<16xi32>
        %parallel_loop3A_317 = arith.addi %parallel_loop3A_162, %parallel_loop3A_316 : vector<16xi32>
        %parallel_loop3A_318 = arith.constant 15 : i32
        %parallel_loop3A_319 = vector.broadcast %parallel_loop3A_318 : i32 to vector<16xi32>
        %parallel_loop3A_320 = arith.andi %parallel_loop3A_317, %parallel_loop3A_319 : vector<16xi32>
        %parallel_loop3A_321 = vector.broadcast %parallel_loop3A_314 : i32 to vector<16xi32>
        %parallel_loop3A_322 = arith.addi %parallel_loop3A_321, %parallel_loop3A_320 : vector<16xi32>
        %parallel_loop3A_323 = arith.constant 16 : i32
        %parallel_loop3A_324 = arith.muli %parallel_loop3A_161, %parallel_loop3A_323 : i32
        %parallel_loop3A_325 = vector.broadcast %parallel_loop3A_324 : i32 to vector<16xi32>
        %parallel_loop3A_326 = arith.addi %parallel_loop3A_325, %parallel_loop3A_162 : vector<16xi32>
        %parallel_loop3A_327 = arith.constant 0 : i32
        %parallel_loop3A_328 = arith.constant 0 : i32
        %parallel_loop3A_329 = tpu.memref_slice %arg6[%rem3A_93, %parallel_loop3A_327, %parallel_loop3A_328] : memref<4x128x128xf32, #tpu.memory_space<vmem>> -> memref<1x128x128xf32, #tpu.memory_space<vmem>>
        %parallel_loop3A_330 = tpu.memref_squeeze %parallel_loop3A_329 : memref<1x128x128xf32, #tpu.memory_space<vmem>> -> memref<128x128xf32, #tpu.memory_space<vmem>>
        %parallel_loop3A_331 = tpu.vector_load_idx %parallel_loop3A_330[%parallel_loop3A_326, %parallel_loop3A_172] : memref<128x128xf32, #tpu.memory_space<vmem>>[vector<16xi32>, vector<16xi32>], vector<16xf32>,
        %parallel_loop3A_332 = arith.constant 0 : i32
        %parallel_loop3A_333 = arith.constant 0 : i32
        %parallel_loop3A_334 = tpu.memref_slice %arg6[%rem3A_93, %parallel_loop3A_332, %parallel_loop3A_333] : memref<4x128x128xf32, #tpu.memory_space<vmem>> -> memref<1x128x128xf32, #tpu.memory_space<vmem>>
        %parallel_loop3A_335 = tpu.memref_squeeze %parallel_loop3A_334 : memref<1x128x128xf32, #tpu.memory_space<vmem>> -> memref<128x128xf32, #tpu.memory_space<vmem>>
        %parallel_loop3A_336 = tpu.vector_load_idx %parallel_loop3A_335[%parallel_loop3A_326, %parallel_loop3A_182] : memref<128x128xf32, #tpu.memory_space<vmem>>[vector<16xi32>, vector<16xi32>], vector<16xf32>,
        %parallel_loop3A_337 = arith.constant 0 : i32
        %parallel_loop3A_338 = arith.constant 0 : i32
        %parallel_loop3A_339 = tpu.memref_slice %arg6[%rem3A_93, %parallel_loop3A_337, %parallel_loop3A_338] : memref<4x128x128xf32, #tpu.memory_space<vmem>> -> memref<1x128x128xf32, #tpu.memory_space<vmem>>
        %parallel_loop3A_340 = tpu.memref_squeeze %parallel_loop3A_339 : memref<1x128x128xf32, #tpu.memory_space<vmem>> -> memref<128x128xf32, #tpu.memory_space<vmem>>
        %parallel_loop3A_341 = tpu.vector_load_idx %parallel_loop3A_340[%parallel_loop3A_326, %parallel_loop3A_192] : memref<128x128xf32, #tpu.memory_space<vmem>>[vector<16xi32>, vector<16xi32>], vector<16xf32>,
        %parallel_loop3A_342 = arith.constant 0 : i32
        %parallel_loop3A_343 = arith.constant 0 : i32
        %parallel_loop3A_344 = tpu.memref_slice %arg6[%rem3A_93, %parallel_loop3A_342, %parallel_loop3A_343] : memref<4x128x128xf32, #tpu.memory_space<vmem>> -> memref<1x128x128xf32, #tpu.memory_space<vmem>>
        %parallel_loop3A_345 = tpu.memref_squeeze %parallel_loop3A_344 : memref<1x128x128xf32, #tpu.memory_space<vmem>> -> memref<128x128xf32, #tpu.memory_space<vmem>>
        %parallel_loop3A_346 = tpu.vector_load_idx %parallel_loop3A_345[%parallel_loop3A_326, %parallel_loop3A_202] : memref<128x128xf32, #tpu.memory_space<vmem>>[vector<16xi32>, vector<16xi32>], vector<16xf32>,
        %parallel_loop3A_347 = arith.constant 0 : i32
        %parallel_loop3A_348 = arith.constant 0 : i32
        %parallel_loop3A_349 = tpu.memref_slice %arg6[%rem3A_93, %parallel_loop3A_347, %parallel_loop3A_348] : memref<4x128x128xf32, #tpu.memory_space<vmem>> -> memref<1x128x128xf32, #tpu.memory_space<vmem>>
        %parallel_loop3A_350 = tpu.memref_squeeze %parallel_loop3A_349 : memref<1x128x128xf32, #tpu.memory_space<vmem>> -> memref<128x128xf32, #tpu.memory_space<vmem>>
        %parallel_loop3A_351 = tpu.vector_load_idx %parallel_loop3A_350[%parallel_loop3A_326, %parallel_loop3A_212] : memref<128x128xf32, #tpu.memory_space<vmem>>[vector<16xi32>, vector<16xi32>], vector<16xf32>,
        %parallel_loop3A_352 = arith.constant 0 : i32
        %parallel_loop3A_353 = arith.constant 0 : i32
        %parallel_loop3A_354 = tpu.memref_slice %arg6[%rem3A_93, %parallel_loop3A_352, %parallel_loop3A_353] : memref<4x128x128xf32, #tpu.memory_space<vmem>> -> memref<1x128x128xf32, #tpu.memory_space<vmem>>
        %parallel_loop3A_355 = tpu.memref_squeeze %parallel_loop3A_354 : memref<1x128x128xf32, #tpu.memory_space<vmem>> -> memref<128x128xf32, #tpu.memory_space<vmem>>
        %parallel_loop3A_356 = tpu.vector_load_idx %parallel_loop3A_355[%parallel_loop3A_326, %parallel_loop3A_222] : memref<128x128xf32, #tpu.memory_space<vmem>>[vector<16xi32>, vector<16xi32>], vector<16xf32>,
        %parallel_loop3A_357 = arith.constant 0 : i32
        %parallel_loop3A_358 = arith.constant 0 : i32
        %parallel_loop3A_359 = tpu.memref_slice %arg6[%rem3A_93, %parallel_loop3A_357, %parallel_loop3A_358] : memref<4x128x128xf32, #tpu.memory_space<vmem>> -> memref<1x128x128xf32, #tpu.memory_space<vmem>>
        %parallel_loop3A_360 = tpu.memref_squeeze %parallel_loop3A_359 : memref<1x128x128xf32, #tpu.memory_space<vmem>> -> memref<128x128xf32, #tpu.memory_space<vmem>>
        %parallel_loop3A_361 = tpu.vector_load_idx %parallel_loop3A_360[%parallel_loop3A_326, %parallel_loop3A_232] : memref<128x128xf32, #tpu.memory_space<vmem>>[vector<16xi32>, vector<16xi32>], vector<16xf32>,
        %parallel_loop3A_362 = arith.constant 0 : i32
        %parallel_loop3A_363 = arith.constant 0 : i32
        %parallel_loop3A_364 = tpu.memref_slice %arg6[%rem3A_93, %parallel_loop3A_362, %parallel_loop3A_363] : memref<4x128x128xf32, #tpu.memory_space<vmem>> -> memref<1x128x128xf32, #tpu.memory_space<vmem>>
        %parallel_loop3A_365 = tpu.memref_squeeze %parallel_loop3A_364 : memref<1x128x128xf32, #tpu.memory_space<vmem>> -> memref<128x128xf32, #tpu.memory_space<vmem>>
        %parallel_loop3A_366 = tpu.vector_load_idx %parallel_loop3A_365[%parallel_loop3A_326, %parallel_loop3A_242] : memref<128x128xf32, #tpu.memory_space<vmem>>[vector<16xi32>, vector<16xi32>], vector<16xf32>,
        %parallel_loop3A_367 = arith.constant 0 : i32
        %parallel_loop3A_368 = arith.constant 0 : i32
        %parallel_loop3A_369 = tpu.memref_slice %arg6[%rem3A_93, %parallel_loop3A_367, %parallel_loop3A_368] : memref<4x128x128xf32, #tpu.memory_space<vmem>> -> memref<1x128x128xf32, #tpu.memory_space<vmem>>
        %parallel_loop3A_370 = tpu.memref_squeeze %parallel_loop3A_369 : memref<1x128x128xf32, #tpu.memory_space<vmem>> -> memref<128x128xf32, #tpu.memory_space<vmem>>
        %parallel_loop3A_371 = tpu.vector_load_idx %parallel_loop3A_370[%parallel_loop3A_326, %parallel_loop3A_252] : memref<128x128xf32, #tpu.memory_space<vmem>>[vector<16xi32>, vector<16xi32>], vector<16xf32>,
        %parallel_loop3A_372 = arith.constant 0 : i32
        %parallel_loop3A_373 = arith.constant 0 : i32
        %parallel_loop3A_374 = tpu.memref_slice %arg6[%rem3A_93, %parallel_loop3A_372, %parallel_loop3A_373] : memref<4x128x128xf32, #tpu.memory_space<vmem>> -> memref<1x128x128xf32, #tpu.memory_space<vmem>>
        %parallel_loop3A_375 = tpu.memref_squeeze %parallel_loop3A_374 : memref<1x128x128xf32, #tpu.memory_space<vmem>> -> memref<128x128xf32, #tpu.memory_space<vmem>>
        %parallel_loop3A_376 = tpu.vector_load_idx %parallel_loop3A_375[%parallel_loop3A_326, %parallel_loop3A_262] : memref<128x128xf32, #tpu.memory_space<vmem>>[vector<16xi32>, vector<16xi32>], vector<16xf32>,
        %parallel_loop3A_377 = arith.constant 0 : i32
        %parallel_loop3A_378 = arith.constant 0 : i32
        %parallel_loop3A_379 = tpu.memref_slice %arg6[%rem3A_93, %parallel_loop3A_377, %parallel_loop3A_378] : memref<4x128x128xf32, #tpu.memory_space<vmem>> -> memref<1x128x128xf32, #tpu.memory_space<vmem>>
        %parallel_loop3A_380 = tpu.memref_squeeze %parallel_loop3A_379 : memref<1x128x128xf32, #tpu.memory_space<vmem>> -> memref<128x128xf32, #tpu.memory_space<vmem>>
        %parallel_loop3A_381 = tpu.vector_load_idx %parallel_loop3A_380[%parallel_loop3A_326, %parallel_loop3A_272] : memref<128x128xf32, #tpu.memory_space<vmem>>[vector<16xi32>, vector<16xi32>], vector<16xf32>,
        %parallel_loop3A_382 = arith.constant 0 : i32
        %parallel_loop3A_383 = arith.constant 0 : i32
        %parallel_loop3A_384 = tpu.memref_slice %arg6[%rem3A_93, %parallel_loop3A_382, %parallel_loop3A_383] : memref<4x128x128xf32, #tpu.memory_space<vmem>> -> memref<1x128x128xf32, #tpu.memory_space<vmem>>
        %parallel_loop3A_385 = tpu.memref_squeeze %parallel_loop3A_384 : memref<1x128x128xf32, #tpu.memory_space<vmem>> -> memref<128x128xf32, #tpu.memory_space<vmem>>
        %parallel_loop3A_386 = tpu.vector_load_idx %parallel_loop3A_385[%parallel_loop3A_326, %parallel_loop3A_282] : memref<128x128xf32, #tpu.memory_space<vmem>>[vector<16xi32>, vector<16xi32>], vector<16xf32>,
        %parallel_loop3A_387 = arith.constant 0 : i32
        %parallel_loop3A_388 = arith.constant 0 : i32
        %parallel_loop3A_389 = tpu.memref_slice %arg6[%rem3A_93, %parallel_loop3A_387, %parallel_loop3A_388] : memref<4x128x128xf32, #tpu.memory_space<vmem>> -> memref<1x128x128xf32, #tpu.memory_space<vmem>>
        %parallel_loop3A_390 = tpu.memref_squeeze %parallel_loop3A_389 : memref<1x128x128xf32, #tpu.memory_space<vmem>> -> memref<128x128xf32, #tpu.memory_space<vmem>>
        %parallel_loop3A_391 = tpu.vector_load_idx %parallel_loop3A_390[%parallel_loop3A_326, %parallel_loop3A_292] : memref<128x128xf32, #tpu.memory_space<vmem>>[vector<16xi32>, vector<16xi32>], vector<16xf32>,
        %parallel_loop3A_392 = arith.constant 0 : i32
        %parallel_loop3A_393 = arith.constant 0 : i32
        %parallel_loop3A_394 = tpu.memref_slice %arg6[%rem3A_93, %parallel_loop3A_392, %parallel_loop3A_393] : memref<4x128x128xf32, #tpu.memory_space<vmem>> -> memref<1x128x128xf32, #tpu.memory_space<vmem>>
        %parallel_loop3A_395 = tpu.memref_squeeze %parallel_loop3A_394 : memref<1x128x128xf32, #tpu.memory_space<vmem>> -> memref<128x128xf32, #tpu.memory_space<vmem>>
        %parallel_loop3A_396 = tpu.vector_load_idx %parallel_loop3A_395[%parallel_loop3A_326, %parallel_loop3A_302] : memref<128x128xf32, #tpu.memory_space<vmem>>[vector<16xi32>, vector<16xi32>], vector<16xf32>,
        %parallel_loop3A_397 = arith.constant 0 : i32
        %parallel_loop3A_398 = arith.constant 0 : i32
        %parallel_loop3A_399 = tpu.memref_slice %arg6[%rem3A_93, %parallel_loop3A_397, %parallel_loop3A_398] : memref<4x128x128xf32, #tpu.memory_space<vmem>> -> memref<1x128x128xf32, #tpu.memory_space<vmem>>
        %parallel_loop3A_400 = tpu.memref_squeeze %parallel_loop3A_399 : memref<1x128x128xf32, #tpu.memory_space<vmem>> -> memref<128x128xf32, #tpu.memory_space<vmem>>
        %parallel_loop3A_401 = tpu.vector_load_idx %parallel_loop3A_400[%parallel_loop3A_326, %parallel_loop3A_312] : memref<128x128xf32, #tpu.memory_space<vmem>>[vector<16xi32>, vector<16xi32>], vector<16xf32>,
        %parallel_loop3A_402 = arith.constant 0 : i32
        %parallel_loop3A_403 = arith.constant 0 : i32
        %parallel_loop3A_404 = tpu.memref_slice %arg6[%rem3A_93, %parallel_loop3A_402, %parallel_loop3A_403] : memref<4x128x128xf32, #tpu.memory_space<vmem>> -> memref<1x128x128xf32, #tpu.memory_space<vmem>>
        %parallel_loop3A_405 = tpu.memref_squeeze %parallel_loop3A_404 : memref<1x128x128xf32, #tpu.memory_space<vmem>> -> memref<128x128xf32, #tpu.memory_space<vmem>>
        %parallel_loop3A_406 = tpu.vector_load_idx %parallel_loop3A_405[%parallel_loop3A_326, %parallel_loop3A_322] : memref<128x128xf32, #tpu.memory_space<vmem>>[vector<16xi32>, vector<16xi32>], vector<16xf32>,
        %parallel_loop3A_407 = arith.constant 0 : i32
        %parallel_loop3A_408 = arith.constant 0 : i32
        %parallel_loop3A_409 = tpu.memref_slice %arg7[%rem3A_95, %parallel_loop3A_407, %parallel_loop3A_408] : memref<3x128x128xf32, #tpu.memory_space<vmem>> -> memref<1x128x128xf32, #tpu.memory_space<vmem>>
        %parallel_loop3A_410 = tpu.memref_squeeze %parallel_loop3A_409 : memref<1x128x128xf32, #tpu.memory_space<vmem>> -> memref<128x128xf32, #tpu.memory_space<vmem>>
        tpu.vector_store_idx %parallel_loop3A_410[%parallel_loop3A_172, %parallel_loop3A_326], %parallel_loop3A_331 : memref<128x128xf32, #tpu.memory_space<vmem>>[vector<16xi32>, vector<16xi32>], vector<16xf32>,
        %parallel_loop3A_411 = arith.constant 0 : i32
        %parallel_loop3A_412 = arith.constant 0 : i32
        %parallel_loop3A_413 = tpu.memref_slice %arg7[%rem3A_95, %parallel_loop3A_411, %parallel_loop3A_412] : memref<3x128x128xf32, #tpu.memory_space<vmem>> -> memref<1x128x128xf32, #tpu.memory_space<vmem>>
        %parallel_loop3A_414 = tpu.memref_squeeze %parallel_loop3A_413 : memref<1x128x128xf32, #tpu.memory_space<vmem>> -> memref<128x128xf32, #tpu.memory_space<vmem>>
        tpu.vector_store_idx %parallel_loop3A_414[%parallel_loop3A_182, %parallel_loop3A_326], %parallel_loop3A_336 : memref<128x128xf32, #tpu.memory_space<vmem>>[vector<16xi32>, vector<16xi32>], vector<16xf32>,
        %parallel_loop3A_415 = arith.constant 0 : i32
        %parallel_loop3A_416 = arith.constant 0 : i32
        %parallel_loop3A_417 = tpu.memref_slice %arg7[%rem3A_95, %parallel_loop3A_415, %parallel_loop3A_416] : memref<3x128x128xf32, #tpu.memory_space<vmem>> -> memref<1x128x128xf32, #tpu.memory_space<vmem>>
        %parallel_loop3A_418 = tpu.memref_squeeze %parallel_loop3A_417 : memref<1x128x128xf32, #tpu.memory_space<vmem>> -> memref<128x128xf32, #tpu.memory_space<vmem>>
        tpu.vector_store_idx %parallel_loop3A_418[%parallel_loop3A_192, %parallel_loop3A_326], %parallel_loop3A_341 : memref<128x128xf32, #tpu.memory_space<vmem>>[vector<16xi32>, vector<16xi32>], vector<16xf32>,
        %parallel_loop3A_419 = arith.constant 0 : i32
        %parallel_loop3A_420 = arith.constant 0 : i32
        %parallel_loop3A_421 = tpu.memref_slice %arg7[%rem3A_95, %parallel_loop3A_419, %parallel_loop3A_420] : memref<3x128x128xf32, #tpu.memory_space<vmem>> -> memref<1x128x128xf32, #tpu.memory_space<vmem>>
        %parallel_loop3A_422 = tpu.memref_squeeze %parallel_loop3A_421 : memref<1x128x128xf32, #tpu.memory_space<vmem>> -> memref<128x128xf32, #tpu.memory_space<vmem>>
        tpu.vector_store_idx %parallel_loop3A_422[%parallel_loop3A_202, %parallel_loop3A_326], %parallel_loop3A_346 : memref<128x128xf32, #tpu.memory_space<vmem>>[vector<16xi32>, vector<16xi32>], vector<16xf32>,
        %parallel_loop3A_423 = arith.constant 0 : i32
        %parallel_loop3A_424 = arith.constant 0 : i32
        %parallel_loop3A_425 = tpu.memref_slice %arg7[%rem3A_95, %parallel_loop3A_423, %parallel_loop3A_424] : memref<3x128x128xf32, #tpu.memory_space<vmem>> -> memref<1x128x128xf32, #tpu.memory_space<vmem>>
        %parallel_loop3A_426 = tpu.memref_squeeze %parallel_loop3A_425 : memref<1x128x128xf32, #tpu.memory_space<vmem>> -> memref<128x128xf32, #tpu.memory_space<vmem>>
        tpu.vector_store_idx %parallel_loop3A_426[%parallel_loop3A_212, %parallel_loop3A_326], %parallel_loop3A_351 : memref<128x128xf32, #tpu.memory_space<vmem>>[vector<16xi32>, vector<16xi32>], vector<16xf32>,
        %parallel_loop3A_427 = arith.constant 0 : i32
        %parallel_loop3A_428 = arith.constant 0 : i32
        %parallel_loop3A_429 = tpu.memref_slice %arg7[%rem3A_95, %parallel_loop3A_427, %parallel_loop3A_428] : memref<3x128x128xf32, #tpu.memory_space<vmem>> -> memref<1x128x128xf32, #tpu.memory_space<vmem>>
        %parallel_loop3A_430 = tpu.memref_squeeze %parallel_loop3A_429 : memref<1x128x128xf32, #tpu.memory_space<vmem>> -> memref<128x128xf32, #tpu.memory_space<vmem>>
        tpu.vector_store_idx %parallel_loop3A_430[%parallel_loop3A_222, %parallel_loop3A_326], %parallel_loop3A_356 : memref<128x128xf32, #tpu.memory_space<vmem>>[vector<16xi32>, vector<16xi32>], vector<16xf32>,
        %parallel_loop3A_431 = arith.constant 0 : i32
        %parallel_loop3A_432 = arith.constant 0 : i32
        %parallel_loop3A_433 = tpu.memref_slice %arg7[%rem3A_95, %parallel_loop3A_431, %parallel_loop3A_432] : memref<3x128x128xf32, #tpu.memory_space<vmem>> -> memref<1x128x128xf32, #tpu.memory_space<vmem>>
        %parallel_loop3A_434 = tpu.memref_squeeze %parallel_loop3A_433 : memref<1x128x128xf32, #tpu.memory_space<vmem>> -> memref<128x128xf32, #tpu.memory_space<vmem>>
        tpu.vector_store_idx %parallel_loop3A_434[%parallel_loop3A_232, %parallel_loop3A_326], %parallel_loop3A_361 : memref<128x128xf32, #tpu.memory_space<vmem>>[vector<16xi32>, vector<16xi32>], vector<16xf32>,
        %parallel_loop3A_435 = arith.constant 0 : i32
        %parallel_loop3A_436 = arith.constant 0 : i32
        %parallel_loop3A_437 = tpu.memref_slice %arg7[%rem3A_95, %parallel_loop3A_435, %parallel_loop3A_436] : memref<3x128x128xf32, #tpu.memory_space<vmem>> -> memref<1x128x128xf32, #tpu.memory_space<vmem>>
        %parallel_loop3A_438 = tpu.memref_squeeze %parallel_loop3A_437 : memref<1x128x128xf32, #tpu.memory_space<vmem>> -> memref<128x128xf32, #tpu.memory_space<vmem>>
        tpu.vector_store_idx %parallel_loop3A_438[%parallel_loop3A_242, %parallel_loop3A_326], %parallel_loop3A_366 : memref<128x128xf32, #tpu.memory_space<vmem>>[vector<16xi32>, vector<16xi32>], vector<16xf32>,
        %parallel_loop3A_439 = arith.constant 0 : i32
        %parallel_loop3A_440 = arith.constant 0 : i32
        %parallel_loop3A_441 = tpu.memref_slice %arg7[%rem3A_95, %parallel_loop3A_439, %parallel_loop3A_440] : memref<3x128x128xf32, #tpu.memory_space<vmem>> -> memref<1x128x128xf32, #tpu.memory_space<vmem>>
        %parallel_loop3A_442 = tpu.memref_squeeze %parallel_loop3A_441 : memref<1x128x128xf32, #tpu.memory_space<vmem>> -> memref<128x128xf32, #tpu.memory_space<vmem>>
        tpu.vector_store_idx %parallel_loop3A_442[%parallel_loop3A_252, %parallel_loop3A_326], %parallel_loop3A_371 : memref<128x128xf32, #tpu.memory_space<vmem>>[vector<16xi32>, vector<16xi32>], vector<16xf32>,
        %parallel_loop3A_443 = arith.constant 0 : i32
        %parallel_loop3A_444 = arith.constant 0 : i32
        %parallel_loop3A_445 = tpu.memref_slice %arg7[%rem3A_95, %parallel_loop3A_443, %parallel_loop3A_444] : memref<3x128x128xf32, #tpu.memory_space<vmem>> -> memref<1x128x128xf32, #tpu.memory_space<vmem>>
        %parallel_loop3A_446 = tpu.memref_squeeze %parallel_loop3A_445 : memref<1x128x128xf32, #tpu.memory_space<vmem>> -> memref<128x128xf32, #tpu.memory_space<vmem>>
        tpu.vector_store_idx %parallel_loop3A_446[%parallel_loop3A_262, %parallel_loop3A_326], %parallel_loop3A_376 : memref<128x128xf32, #tpu.memory_space<vmem>>[vector<16xi32>, vector<16xi32>], vector<16xf32>,
        %parallel_loop3A_447 = arith.constant 0 : i32
        %parallel_loop3A_448 = arith.constant 0 : i32
        %parallel_loop3A_449 = tpu.memref_slice %arg7[%rem3A_95, %parallel_loop3A_447, %parallel_loop3A_448] : memref<3x128x128xf32, #tpu.memory_space<vmem>> -> memref<1x128x128xf32, #tpu.memory_space<vmem>>
        %parallel_loop3A_450 = tpu.memref_squeeze %parallel_loop3A_449 : memref<1x128x128xf32, #tpu.memory_space<vmem>> -> memref<128x128xf32, #tpu.memory_space<vmem>>
        tpu.vector_store_idx %parallel_loop3A_450[%parallel_loop3A_272, %parallel_loop3A_326], %parallel_loop3A_381 : memref<128x128xf32, #tpu.memory_space<vmem>>[vector<16xi32>, vector<16xi32>], vector<16xf32>,
        %parallel_loop3A_451 = arith.constant 0 : i32
        %parallel_loop3A_452 = arith.constant 0 : i32
        %parallel_loop3A_453 = tpu.memref_slice %arg7[%rem3A_95, %parallel_loop3A_451, %parallel_loop3A_452] : memref<3x128x128xf32, #tpu.memory_space<vmem>> -> memref<1x128x128xf32, #tpu.memory_space<vmem>>
        %parallel_loop3A_454 = tpu.memref_squeeze %parallel_loop3A_453 : memref<1x128x128xf32, #tpu.memory_space<vmem>> -> memref<128x128xf32, #tpu.memory_space<vmem>>
        tpu.vector_store_idx %parallel_loop3A_454[%parallel_loop3A_282, %parallel_loop3A_326], %parallel_loop3A_386 : memref<128x128xf32, #tpu.memory_space<vmem>>[vector<16xi32>, vector<16xi32>], vector<16xf32>,
        %parallel_loop3A_455 = arith.constant 0 : i32
        %parallel_loop3A_456 = arith.constant 0 : i32
        %parallel_loop3A_457 = tpu.memref_slice %arg7[%rem3A_95, %parallel_loop3A_455, %parallel_loop3A_456] : memref<3x128x128xf32, #tpu.memory_space<vmem>> -> memref<1x128x128xf32, #tpu.memory_space<vmem>>
        %parallel_loop3A_458 = tpu.memref_squeeze %parallel_loop3A_457 : memref<1x128x128xf32, #tpu.memory_space<vmem>> -> memref<128x128xf32, #tpu.memory_space<vmem>>
        tpu.vector_store_idx %parallel_loop3A_458[%parallel_loop3A_292, %parallel_loop3A_326], %parallel_loop3A_391 : memref<128x128xf32, #tpu.memory_space<vmem>>[vector<16xi32>, vector<16xi32>], vector<16xf32>,
        %parallel_loop3A_459 = arith.constant 0 : i32
        %parallel_loop3A_460 = arith.constant 0 : i32
        %parallel_loop3A_461 = tpu.memref_slice %arg7[%rem3A_95, %parallel_loop3A_459, %parallel_loop3A_460] : memref<3x128x128xf32, #tpu.memory_space<vmem>> -> memref<1x128x128xf32, #tpu.memory_space<vmem>>
        %parallel_loop3A_462 = tpu.memref_squeeze %parallel_loop3A_461 : memref<1x128x128xf32, #tpu.memory_space<vmem>> -> memref<128x128xf32, #tpu.memory_space<vmem>>
        tpu.vector_store_idx %parallel_loop3A_462[%parallel_loop3A_302, %parallel_loop3A_326], %parallel_loop3A_396 : memref<128x128xf32, #tpu.memory_space<vmem>>[vector<16xi32>, vector<16xi32>], vector<16xf32>,
        %parallel_loop3A_463 = arith.constant 0 : i32
        %parallel_loop3A_464 = arith.constant 0 : i32
        %parallel_loop3A_465 = tpu.memref_slice %arg7[%rem3A_95, %parallel_loop3A_463, %parallel_loop3A_464] : memref<3x128x128xf32, #tpu.memory_space<vmem>> -> memref<1x128x128xf32, #tpu.memory_space<vmem>>
        %parallel_loop3A_466 = tpu.memref_squeeze %parallel_loop3A_465 : memref<1x128x128xf32, #tpu.memory_space<vmem>> -> memref<128x128xf32, #tpu.memory_space<vmem>>
        tpu.vector_store_idx %parallel_loop3A_466[%parallel_loop3A_312, %parallel_loop3A_326], %parallel_loop3A_401 : memref<128x128xf32, #tpu.memory_space<vmem>>[vector<16xi32>, vector<16xi32>], vector<16xf32>,
        %parallel_loop3A_467 = arith.constant 0 : i32
        %parallel_loop3A_468 = arith.constant 0 : i32
        %parallel_loop3A_469 = tpu.memref_slice %arg7[%rem3A_95, %parallel_loop3A_467, %parallel_loop3A_468] : memref<3x128x128xf32, #tpu.memory_space<vmem>> -> memref<1x128x128xf32, #tpu.memory_space<vmem>>
        %parallel_loop3A_470 = tpu.memref_squeeze %parallel_loop3A_469 : memref<1x128x128xf32, #tpu.memory_space<vmem>> -> memref<128x128xf32, #tpu.memory_space<vmem>>
        tpu.vector_store_idx %parallel_loop3A_470[%parallel_loop3A_322, %parallel_loop3A_326], %parallel_loop3A_406 : memref<128x128xf32, #tpu.memory_space<vmem>>[vector<16xi32>, vector<16xi32>], vector<16xf32>,
      } {sc.loop_unroll_factor = 1 : i64, sc.parallel_access}
      %dma_start3A_112 = arith.constant 0 : i32
      %dma_start3A_113 = arith.constant 0 : i32
      %dma_start3A_114 = tpu.memref_slice %arg7[%rem3A_95, %dma_start3A_112, %dma_start3A_113] : memref<3x128x128xf32, #tpu.memory_space<vmem>> -> memref<1x128x128xf32, #tpu.memory_space<vmem>>
      %dma_start3A_115 = tpu.memref_squeeze %dma_start3A_114 : memref<1x128x128xf32, #tpu.memory_space<vmem>> -> memref<128x128xf32, #tpu.memory_space<vmem>>
      %dma_start3A_116 = arith.constant 0 : i32
      %dma_start3A_117 = tpu.memref_slice %arg4[%add3A_92, %dma_start3A_116, %mul3A_2] : memref<26x128x4096xf32, #tpu.memory_space<hbm>> -> memref<1x128x128xf32, #tpu.memory_space<hbm>>
      %dma_start3A_118 = tpu.memref_squeeze %dma_start3A_117 : memref<1x128x128xf32, #tpu.memory_space<hbm>> -> memref<128x128xf32, #tpu.memory_space<hbm>>
      %dma_start3A_119 = tpu.memref_slice %arg9[%rem3A_95] : memref<3x!tpu.dma_semaphore, #tpu.memory_space<semaphore_mem>> -> memref<1x!tpu.dma_semaphore, #tpu.memory_space<semaphore_mem>>
      %dma_start3A_120 = tpu.memref_squeeze %dma_start3A_119 : memref<1x!tpu.dma_semaphore, #tpu.memory_space<semaphore_mem>> -> memref<!tpu.dma_semaphore, #tpu.memory_space<semaphore_mem>>
      %dma_start3A_121 = arith.constant 0 : i32
      %dma_start3A_122 = tpu.memref_slice %arg4[%add3A_92, %dma_start3A_121, %mul3A_2] : memref<26x128x4096xf32, #tpu.memory_space<hbm>> -> memref<1x128x128xf32, #tpu.memory_space<hbm>>
      %dma_start3A_123 = tpu.memref_squeeze %dma_start3A_122 : memref<1x128x128xf32, #tpu.memory_space<hbm>> -> memref<128x128xf32, #tpu.memory_space<hbm>>
      %dma_start3A_124 = arith.constant 0 : i32
      %dma_start3A_125 = arith.constant 0 : i32
      %dma_start3A_126 = tpu.memref_slice %arg7[%rem3A_95, %dma_start3A_124, %dma_start3A_125] : memref<3x128x128xf32, #tpu.memory_space<vmem>> -> memref<1x128x128xf32, #tpu.memory_space<vmem>>
      %dma_start3A_127 = tpu.memref_squeeze %dma_start3A_126 : memref<1x128x128xf32, #tpu.memory_space<vmem>> -> memref<128x128xf32, #tpu.memory_space<vmem>>
      tpu.enqueue_dma source(%dma_start3A_127 : memref<128x128xf32, #tpu.memory_space<vmem>>) target(%dma_start3A_123 : memref<128x128xf32, #tpu.memory_space<hbm>>) target_semaphore(%dma_start3A_120 : memref<!tpu.dma_semaphore, #tpu.memory_space<semaphore_mem>>)
      %add3A_128 = arith.constant 4 : i32
      %add3A_129 = arith.addi %add3A_92, %add3A_128 : i32
      %sub3A = arith.constant 1 : i32
      %sub3A_130 = arith.subi %add3A_129, %sub3A : i32
      %lt3A = arith.constant 26 : i32
      %lt3A_131 = arith.cmpi slt, %sub3A_130, %lt3A : i32
      %convert_element_type3A_132 = arith.extui %lt3A_131 : i1 to i32
      %cond3A_133 = arith.constant 0 : i32
      %cond3A_134 = arith.cmpi ne, %convert_element_type3A_132, %cond3A_133 : i32
      scf.if %cond3A_134 {
        %add3A_135 = arith.constant 4 : i32
        %add3A_136 = arith.addi %add3A_92, %add3A_135 : i32
        %sub3A_137 = arith.constant 1 : i32
        %sub3A_138 = arith.subi %add3A_136, %sub3A_137 : i32
        %add3A_139 = arith.constant 4 : i32
        %add3A_140 = arith.addi %add3A_92, %add3A_139 : i32
        %sub3A_141 = arith.constant 1 : i32
        %sub3A_142 = arith.subi %add3A_140, %sub3A_141 : i32
        %rem3A_143 = arith.constant 4 : i32
        %rem3A_144 = arith.remsi %sub3A_142, %rem3A_143 : i32
        %dma_start3A_145 = arith.constant 0 : i32
        %dma_start3A_146 = arith.constant 0 : i32
        %dma_start3A_147 = tpu.memref_slice %arg6[%rem3A_144, %dma_start3A_145, %dma_start3A_146] : memref<4x128x128xf32, #tpu.memory_space<vmem>> -> memref<1x128x128xf32, #tpu.memory_space<vmem>>
        %dma_start3A_148 = tpu.memref_squeeze %dma_start3A_147 : memref<1x128x128xf32, #tpu.memory_space<vmem>> -> memref<128x128xf32, #tpu.memory_space<vmem>>
        %dma_start3A_149 = arith.constant 0 : i32
        %dma_start3A_150 = tpu.memref_slice %arg5[%sub3A_138, %dma_start3A_149] : memref<26x128xi32, #tpu.memory_space<vmem>> -> memref<1x128xi32, #tpu.memory_space<vmem>>
        %dma_start3A_151 = tpu.memref_squeeze %dma_start3A_150 : memref<1x128xi32, #tpu.memory_space<vmem>> -> memref<128xi32, #tpu.memory_space<vmem>>
        %dma_start3A_152 = arith.constant 0 : i32
        %dma_start3A_153 = arith.constant 0 : i32
        %dma_start3A_154 = tpu.memref_slice %arg2[%dma_start3A_152, %dma_start3A_153] : memref<100000x128xf32, #tpu.memory_space<hbm>> -> memref<100000x128xf32, #tpu.memory_space<hbm>>
        %dma_start3A_155 = tpu.memref_slice %arg8[%rem3A_144] : memref<4x!tpu.dma_semaphore, #tpu.memory_space<semaphore_mem>> -> memref<1x!tpu.dma_semaphore, #tpu.memory_space<semaphore_mem>>
        %dma_start3A_156 = tpu.memref_squeeze %dma_start3A_155 : memref<1x!tpu.dma_semaphore, #tpu.memory_space<semaphore_mem>> -> memref<!tpu.dma_semaphore, #tpu.memory_space<semaphore_mem>>
        tpu.enqueue_indirect_dma source(%dma_start3A_154 : memref<100000x128xf32, #tpu.memory_space<hbm>>) target(%dma_start3A_148 : memref<128x128xf32, #tpu.memory_space<vmem>>) offsets(%dma_start3A_151 : memref<128xi32, #tpu.memory_space<vmem>>) semaphore(%dma_start3A_156 : memref<!tpu.dma_semaphore, #tpu.memory_space<semaphore_mem>>)
      } else {
      }
    }
    %scan3A_50 = arith.constant 26 : i32
    %dma_wait3A = arith.constant 2 : i32
    %dma_wait3A_51 = arith.constant 23 : i32
    %dma_wait3A_52 = arith.constant 2 : i32
    %dma_wait3A_53 = arith.constant 0 : i32
    %dma_wait3A_54 = arith.constant 0 : i32
    %dma_wait3A_55 = tpu.memref_slice %arg7[%dma_wait3A, %dma_wait3A_53, %dma_wait3A_54] : memref<3x128x128xf32, #tpu.memory_space<vmem>> -> memref<1x128x128xf32, #tpu.memory_space<vmem>>
    %dma_wait3A_56 = tpu.memref_squeeze %dma_wait3A_55 : memref<1x128x128xf32, #tpu.memory_space<vmem>> -> memref<128x128xf32, #tpu.memory_space<vmem>>
    %dma_wait3A_57 = arith.constant 0 : i32
    %dma_wait3A_58 = tpu.memref_slice %arg4[%dma_wait3A_51, %dma_wait3A_57, %mul3A_2] : memref<26x128x4096xf32, #tpu.memory_space<hbm>> -> memref<1x128x128xf32, #tpu.memory_space<hbm>>
    %dma_wait3A_59 = tpu.memref_squeeze %dma_wait3A_58 : memref<1x128x128xf32, #tpu.memory_space<hbm>> -> memref<128x128xf32, #tpu.memory_space<hbm>>
    %dma_wait3A_60 = tpu.memref_slice %arg9[%dma_wait3A_52] : memref<3x!tpu.dma_semaphore, #tpu.memory_space<semaphore_mem>> -> memref<1x!tpu.dma_semaphore, #tpu.memory_space<semaphore_mem>>
    %dma_wait3A_61 = tpu.memref_squeeze %dma_wait3A_60 : memref<1x!tpu.dma_semaphore, #tpu.memory_space<semaphore_mem>> -> memref<!tpu.dma_semaphore, #tpu.memory_space<semaphore_mem>>
    %dma_wait3A_62 = arith.constant 0 : i32
    %dma_wait3A_63 = tpu.memref_slice %arg4[%dma_wait3A_51, %dma_wait3A_62, %mul3A_2] : memref<26x128x4096xf32, #tpu.memory_space<hbm>> -> memref<1x128x128xf32, #tpu.memory_space<hbm>>
    %dma_wait3A_64 = tpu.memref_squeeze %dma_wait3A_63 : memref<1x128x128xf32, #tpu.memory_space<hbm>> -> memref<128x128xf32, #tpu.memory_space<hbm>>
    %dma_wait3A_65 = arith.constant 0 : i32
    %dma_wait3A_66 = arith.constant 0 : i32
    %dma_wait3A_67 = tpu.memref_slice %arg7[%dma_wait3A, %dma_wait3A_65, %dma_wait3A_66] : memref<3x128x128xf32, #tpu.memory_space<vmem>> -> memref<1x128x128xf32, #tpu.memory_space<vmem>>
    %dma_wait3A_68 = tpu.memref_squeeze %dma_wait3A_67 : memref<1x128x128xf32, #tpu.memory_space<vmem>> -> memref<128x128xf32, #tpu.memory_space<vmem>>
    tpu.wait_dma2 semaphore(%dma_wait3A_61 : memref<!tpu.dma_semaphore, #tpu.memory_space<semaphore_mem>>) src(%dma_wait3A_68 : memref<128x128xf32, #tpu.memory_space<vmem>>) dst(%dma_wait3A_64 : memref<128x128xf32, #tpu.memory_space<hbm>>)
    %dma_wait3A_69 = arith.constant 1 : i32
    %dma_wait3A_70 = arith.constant 25 : i32
    %dma_wait3A_71 = arith.constant 1 : i32
    %dma_wait3A_72 = arith.constant 0 : i32
    %dma_wait3A_73 = arith.constant 0 : i32
    %dma_wait3A_74 = tpu.memref_slice %arg7[%dma_wait3A_69, %dma_wait3A_72, %dma_wait3A_73] : memref<3x128x128xf32, #tpu.memory_space<vmem>> -> memref<1x128x128xf32, #tpu.memory_space<vmem>>
    %dma_wait3A_75 = tpu.memref_squeeze %dma_wait3A_74 : memref<1x128x128xf32, #tpu.memory_space<vmem>> -> memref<128x128xf32, #tpu.memory_space<vmem>>
    %dma_wait3A_76 = arith.constant 0 : i32
    %dma_wait3A_77 = tpu.memref_slice %arg4[%dma_wait3A_70, %dma_wait3A_76, %mul3A_2] : memref<26x128x4096xf32, #tpu.memory_space<hbm>> -> memref<1x128x128xf32, #tpu.memory_space<hbm>>
    %dma_wait3A_78 = tpu.memref_squeeze %dma_wait3A_77 : memref<1x128x128xf32, #tpu.memory_space<hbm>> -> memref<128x128xf32, #tpu.memory_space<hbm>>
    %dma_wait3A_79 = tpu.memref_slice %arg9[%dma_wait3A_71] : memref<3x!tpu.dma_semaphore, #tpu.memory_space<semaphore_mem>> -> memref<1x!tpu.dma_semaphore, #tpu.memory_space<semaphore_mem>>
    %dma_wait3A_80 = tpu.memref_squeeze %dma_wait3A_79 : memref<1x!tpu.dma_semaphore, #tpu.memory_space<semaphore_mem>> -> memref<!tpu.dma_semaphore, #tpu.memory_space<semaphore_mem>>
    %dma_wait3A_81 = arith.constant 0 : i32
    %dma_wait3A_82 = tpu.memref_slice %arg4[%dma_wait3A_70, %dma_wait3A_81, %mul3A_2] : memref<26x128x4096xf32, #tpu.memory_space<hbm>> -> memref<1x128x128xf32, #tpu.memory_space<hbm>>
    %dma_wait3A_83 = tpu.memref_squeeze %dma_wait3A_82 : memref<1x128x128xf32, #tpu.memory_space<hbm>> -> memref<128x128xf32, #tpu.memory_space<hbm>>
    %dma_wait3A_84 = arith.constant 0 : i32
    %dma_wait3A_85 = arith.constant 0 : i32
    %dma_wait3A_86 = tpu.memref_slice %arg7[%dma_wait3A_69, %dma_wait3A_84, %dma_wait3A_85] : memref<3x128x128xf32, #tpu.memory_space<vmem>> -> memref<1x128x128xf32, #tpu.memory_space<vmem>>
    %dma_wait3A_87 = tpu.memref_squeeze %dma_wait3A_86 : memref<1x128x128xf32, #tpu.memory_space<vmem>> -> memref<128x128xf32, #tpu.memory_space<vmem>>
    tpu.wait_dma2 semaphore(%dma_wait3A_80 : memref<!tpu.dma_semaphore, #tpu.memory_space<semaphore_mem>>) src(%dma_wait3A_87 : memref<128x128xf32, #tpu.memory_space<vmem>>) dst(%dma_wait3A_83 : memref<128x128xf32, #tpu.memory_space<hbm>>)
    return
  }
}

</mosaic_0001>

<sc_bundles>
// kernel: kernel.3.cloned.1.call-start
scs
__scs_entry_jumppad:
0x0: {  	(pc) =	sbr.rel $0x88, $3  }
0x1: {  	(tag) =	ssettag $0x0;
	lr =	simm.s32 $0x1  }
0x2: {  	[smem:$0x3F9F] =	sst lr;
	_ =	strace $0xD0000000  }
0x3: {  	_ = 	snop  }
0x4: {  	_ = 	snop  }
0x5: {  	_ = 	snop  }
0x6: {  	_ = 	snop  }
0x7: {  	_ = 	snop  }
__scs_overlays_trampoline_lowered:
0x8: {  	[smem:$0x3FAE] =	sst s0  }
0x9: {  	[smem:$0x3FAF] =	sst s1  }
0xa: {  	[smem:$0x3FB0] =	sst s2  }
0xb: {  	[smem:$0x3FB1] =	sst s3  }
0xc: {  	[smem:$0x3FB2] =	sst s4  }
0xd: {  	[smem:$0x3FB3] =	sst s5  }
0xe: {  	[smem:$0x3FB4] =	sst s6  }
0xf: {  	[smem:$0x3FB5] =	sst s7  }
0x10: {  	[smem:$0x3FB6] =	sst s8  }
0x11: {  	[smem:$0x3FB7] =	sst s9;
	s0 =	simm.s32 @!p0 $0x0  }
0x12: {  	s1 =	sld [smem:$0x3F9D];
	s0 =	simm.s32 @p0 $0x1  }
0x13: {  	[smem:$0x3FB8] =	sst s0;
	s0 =	simm.s32 @!p1 $0x0  }
0x14: {  	s2 =	sld [smem:$0x3F9C];
	s0 =	simm.s32 @p1 $0x1  }
0x15: {  	[smem:$0x3FB9] =	sst s0;
	s0 =	simm.s32 @!p2 $0x0  }
0x16: {  	s3 =	sld [smem:$0x3FDB];
	s0 =	simm.s32 @p2 $0x1  }
0x17: {  	s4 =	simm.s32 $0x1BF5;
	[smem:$0x3FBB] =	sst s0  }
0x18: {  	s0 =	sld [smem:$0x3F9E];
	_ =	swait.ge [sflag:s4], $0x0  }
0x19: {  	s7 =	sld [smem:$0x3F9F]  }
0x1a: {  	s8 =	sadd.s32 $0xFFFFE003, lr  }
0x1b: {  	s9 =	sadd.s32 $0xFFFFFEF7, lr;
	s5 =	simm.s32 $0xFFFFFFFF;
	p2 =	slt.u32 s8, $0xFFFFF086  }
0x1c: {  	p1 =	slt.u32 s9, $0xF7A;
	s5 =	simm.s32 @!p2 $0x0  }
0x1d: {  	s5 =	simm.s32 @p1 $0x1;
	p0 =	seq.s32 s7, s2  }
0x1e: {  	s7 =	smul.u32 @!p0 $0xF7A, s2;
	p2 =	seq.s32 @!p0 s5, $0x0  }
0x1f: {  	s9 =	smul.u32 $0xF7A, s1;
	s8 =	simm.s32 @!p0 $0x1BF5;
	p2 =	por !p2, p0  }
0x20: {  	[sflag:s8] =	ssyncset.s32 @!p0 $0xFFFFF086;
	s6 =	sadd.s32 @!p0 s3, s7;
	s7 =	simm.s32 @!p0 $0x108  }
0x21: {  	s3 =	sadd.s32 s3, s9;
	s6 =	sadd.s32 @!p0 $0x88, s6;
	s7 =	simm.s32 @p2 $0x1082  }
0x22: {  	[simem:s7], [sflag:s8] =	dma.local @!p0 [hbm:s6], $0xF7A  }
0x23: {  	s9 =	sor.u32 $0xD0000000, s2;
	s6 =	simm.s32 $0x108;
	_ =	swait.ge @!p0 [sflag:s8], $0x0  }
0x24: {  	s3 =	sadd.s32 $0x88, s3;
	s6 =	simm.s32 @!p1 $0x1082;
	[sflag:s4] =	ssyncset.s32 $0xFFFFF086  }
0x25: {  	[simem:s6], [sflag:s4] =	dma.local [hbm:s3], $0xF7A  }
0x26: {  	[smem:$0x3F9F] =	sst s1;
	(tag) =	ssettag s2;
	_ =	strace s9  }
0x27: {  	s1 =	sld [smem:$0x3FAF]  }
0x28: {  	s2 =	sld [smem:$0x3FB0]  }
0x29: {  	s4 =	sld [smem:$0x3FB2]  }
0x2a: {  	p0 =	seq.s32 s5, $0x0;
	s5 =	sld [smem:$0x3FB3]  }
0x2b: {  	s6 =	sld [smem:$0x3FB4]  }
0x2c: {  	s7 =	sld [smem:$0x3FB5]  }
0x2d: {  	s3 =	simm.s32 $0x108;
	s8 =	sld [smem:$0x3FB6]  }
0x2e: {  	s3 =	simm.s32 @!p0 $0x1082;
	s9 =	sld [smem:$0x3FB7]  }
0x2f: {  	lr =	sadd.s32 s0, s3;
	s0 =	sld [smem:$0x3FAE]  }
0x30: {  	s3 =	sld [smem:$0x3FB1]  }
0x31: {  	[smem:$0x3FBA] =	sst s10  }
0x32: {  	s10 =	sld [smem:$0x3FB8];
	_ =	sdelay $0x3  }
0x33: {  	p0 =	seq.s32 s10, $0x1;
	s10 =	sld [smem:$0x3FBA];
	_ =	sdelay $0x3  }
0x34: {  	[smem:$0x3FBA] =	sst s10  }
0x35: {  	s10 =	sld [smem:$0x3FB9];
	_ =	sdelay $0x3  }
0x36: {  	p1 =	seq.s32 s10, $0x1;
	s10 =	sld [smem:$0x3FBA];
	_ =	sdelay $0x3  }
0x37: {  	[smem:$0x3FBA] =	sst s10  }
0x38: {  	s10 =	sld [smem:$0x3FBB]  }
0x39: {  	_ = 	snop;
	(pc) =	sbr.ind lr, $3  }
0x3a: {  	_ = 	snop  }
0x3b: {  	_ = 	snop  }
0x3c: {  	p2 =	seq.s32 s10, $0x1;
	s10 =	sld [smem:$0x3FBA]  }
0x3d: {  	_ =	shalt  }
0x3e: {  	_ =	shalt  }
0x3f: {  	_ =	shalt  }
0x40: {  	_ =	shalt  }
0x41: {  	_ =	shalt  }
0x42: {  	_ =	shalt  }
0x43: {  	_ =	shalt  }
0x44: {  	_ =	shalt  }
0x45: {  	_ =	shalt  }
0x46: {  	_ =	shalt  }
0x47: {  	_ =	shalt  }
0x48: {  	_ =	shalt  }
0x49: {  	_ =	shalt  }
0x4a: {  	_ =	shalt  }
0x4b: {  	_ =	shalt  }
0x4c: {  	_ =	shalt  }
0x4d: {  	_ =	shalt  }
0x4e: {  	_ =	shalt  }
0x4f: {  	_ =	shalt  }
0x50: {  	_ =	shalt  }
0x51: {  	_ =	shalt  }
0x52: {  	_ =	shalt  }
0x53: {  	_ =	shalt  }
0x54: {  	_ =	shalt  }
0x55: {  	_ =	shalt  }
0x56: {  	_ =	shalt  }
0x57: {  	_ =	shalt  }
0x58: {  	_ =	shalt  }
0x59: {  	_ =	shalt  }
0x5a: {  	_ =	shalt  }
0x5b: {  	_ =	shalt  }
0x5c: {  	_ =	shalt  }
0x5d: {  	_ =	shalt  }
0x5e: {  	_ =	shalt  }
0x5f: {  	_ =	shalt  }
0x60: {  	_ =	shalt  }
0x61: {  	_ =	shalt  }
0x62: {  	_ =	shalt  }
0x63: {  	_ =	shalt  }
0x64: {  	_ =	shalt  }
0x65: {  	_ =	shalt  }
0x66: {  	_ =	shalt  }
0x67: {  	_ =	shalt  }
0x68: {  	_ =	shalt  }
0x69: {  	_ =	shalt  }
0x6a: {  	_ =	shalt  }
0x6b: {  	_ =	shalt  }
0x6c: {  	_ =	shalt  }
0x6d: {  	_ =	shalt  }
0x6e: {  	_ =	shalt  }
0x6f: {  	_ =	shalt  }
0x70: {  	_ =	shalt  }
0x71: {  	_ =	shalt  }
0x72: {  	_ =	shalt  }
0x73: {  	_ =	shalt  }
0x74: {  	_ =	shalt  }
0x75: {  	_ =	shalt  }
0x76: {  	_ =	shalt  }
0x77: {  	_ =	shalt  }
0x78: {  	_ =	shalt  }
0x79: {  	_ =	shalt  }
0x7a: {  	_ =	shalt  }
0x7b: {  	_ =	shalt  }
0x7c: {  	_ =	shalt  }
0x7d: {  	_ =	shalt  }
0x7e: {  	_ =	shalt  }
0x7f: {  	_ =	shalt  }
0x80: {  	_ =	shalt  }
0x81: {  	_ =	shalt  }
0x82: {  	_ =	shalt  }
0x83: {  	_ =	shalt  }
0x84: {  	_ =	shalt  }
0x85: {  	_ =	shalt  }
0x86: {  	_ =	shalt  }
0x87: {  	_ =	shalt  }
.Lfunc_end0:
.L_simem_size_0:
called_computation_lowered:
.L_overlay_start_0:
0x88: {  	s2 =	sld [smem:$0x3FD9]  }
0x89: {  	s3 =	sld [smem:$0x3FFE];
	_ =	sdelay $0x1  }
0x8a: {  	s1 =	srdreg.scid  }
0x8b: {  	s0 =	sand.u32 $0x1, s1  }
0x8c: {  	s17 =	sshll.u32 s0, $0xA;
	s2 =	sadd.s32 s3, s2  }
0x8d: {  	s2 =	sadd.s32 s2, s17  }
0x8e: {  	[smem:$0x3FC6] =	sst s2  }
0x8f: {  	_ = 	snop  }
0x90: {  	s2 =	sld [smem:$0x3FC9]  }
0x91: {  	s18 =	sld [smem:$0x3FD0];
	(tm) =	ssettm $0x1  }
0x92: {  	s4 =	sld [smem:$0x3FFB];
	_ =	sdelay $0x3  }
0x93: {  	_ =	strace s4  }
0x94: {  	s4 =	sld [smem:$0x3FFC];
	_ =	sdelay $0x3  }
0x95: {  	_ =	strace s4  }
0x96: {  	s4 =	sld [smem:$0x3FFD];
	_ =	sdelay $0x3  }
0x97: {  	_ =	strace s4  }
0x98: {  	_ =	strace $0x8FFFFFFF  }
0x99: {  	s19 =	sld [smem:$0x3FDB];
	_ =	sdelay $0x1  }
0x9a: {  	s5 =	simm.s32 $_scs_section_size  }
0x9b: {  	s6 =	simm.s32 $_size__tile_overlayer_lowered;
	s7 =	simm.s32 $_tile_overlayer_lowered  }
0x9c: {  	s22 =	simm.s32 $0x1BFF;
	s21 =	sshll.u32 s7, $0x1;
	s4 =	sadd.s32 s5, s19  }
0x9d: {  	s8 =	simm.s32 $0x0;
	s20 =	sshll.u32 s6, $0x1;
	s6 =	sadd.s32 s21, s4  }
0x9e: {  	[timem:s8], [sflag:s22] =	dma.local [hbm:s6], s20  }
0x9f: {  	_ =	swait.ge [sflag:s22], s20  }
0xa0: {  	s5 =	ssub.s32 $0x0, s20;
	[sflag:s22] =	ssyncset.done $0x0  }
0xa1: {  	[sflag:s22] =	ssyncadd.s32 s5;
	_ =	sdelay $0x1  }
0xa2: {  	s23 =	simm.s32 $0x1B8B  }
0xa3: {  	_ =	swait.ge [sflag:s23], $0x1  }
0xa4: {  	[sflag:s23] =	ssyncset.done $0x0  }
0xa5: {  	s25 =	simm.s32 $0x1B8E;
	s24 =	sld [smem:$0x3FFE];
	[sflag:s23] =	ssyncadd.s32 $0xFFFFFFFF  }
0xa6: {  	s26 =	simm.s32 $execute0_lowered;
	[smem:$0x3FD2] =	sst s25  }
0xa7: {  	s6 =	sshll.u32 s26, $0x1;
	_ =	strace $0x80000046;
	[dreg:$0x1] =	wrdreg $0xFFFFFFFF  }
0xa8: {  	s28 =	simm.s32 $_size_execute0_lowered;
	s4 =	sadd.s32 s4, s6;
	[dreg:$0x0] =	wrdreg $0x0  }
0xa9: {  	s6 =	sshll.u32 s28, $0x1;
	[dreg:$0x2] =	wrdreg s4  }
0xaa: {  	[dreg:$0x3] =	wrdreg s6  }
0xab: {  	[dreg:$0x4] =	wrdreg $0xC0  }
0xac: {  	_ =	task [dreg:s8], $0x5FFFF  }
0xad: {  	[dreg:$0x1] =	wrdreg $0xFFFFFFFF  }
0xae: {  	[dreg:$0x0] =	wrdreg $0x60  }
0xaf: {  	[dreg:$0x2] =	wrdreg s24  }
0xb0: {  	[dreg:$0x3] =	wrdreg s2  }
0xb1: {  	[dreg:$0x4] =	wrdreg s18  }
0xb2: {  	[dreg:$0x5] =	wrdreg $0x9  }
0xb3: {  	_ =	task.clear_ibuf [dreg:s8], $0x6FFFF;
	_ =	strace $0x90000046  }
0xb4: {  	s29 =	simm.s32 $0x9;
	_ =	strace $0x80000048  }
0xb5: {  	_ =	swait.ge [sflag:s29], $0x1  }
0xb6: {  	[sflag:s29] =	ssyncadd.s32 $0xFFFFFFFF  }
0xb7: {  	_ =	strace $0x90000048  }
0xb8: {  	_ =	sfence  }
0xb9: {  	s30 =	sld [smem:$0x0];
	_ =	sdelay $0x2  }
0xba: {  	s31 =	sshll.u32 s1, $0xD;
	s1 =	sshrl.u32 s1, $0x2  }
0xbb: {  	s3 =	sand.u32 $0x4000, s31;
	s1 =	sadd.s32 s1, s30  }
0xbc: {  	s0 =	sor.u32 s3, s0;
	s1 =	sshll.u32 s1, $0x11  }
0xbd: {  	s0 =	sor.u32 s1, s0  }
0xbe: {  	s0 =	sadd.s32 $0x8F2B, s0  }
0xbf: {  	[sflag:s0] =	ssyncadd.remote.s32 $0x1  }
0xc0: {  	_ =	sfence.sel $0xFFFF  }
0xc1: {  	[dreg:$0x0] =	wrdreg $0xFFFFFFFF;
	(pc) =	sbr.abs _section_cstart, $3  }
0xc2: {  	[dreg:$0x1] =	wrdreg $0xFFFFFFFF  }
0xc3: {  	_ =	task.clear_ibuf [dreg:s8], $0x2FFFF;
	_ =	strace $0x9FFFFFFF  }
0xc4: {  	(tm) =	ssettm $0x7FFFFFFF  }
0xc5: {  	_ =	shalt  }
tec
execute0_lowered:
.L_overlay_start_1:
0x0: {  	(tag) =	ssettag $0x1  }
0x1: {  	v0 =	vimm.s32 $0xFEDCBA9  }
0x2: {  	v56 =	vlaneseq.u32;
	v2 =	vimm.s32 $0x87654321;
	v3 =	vimm.s32 $0x98765432  }
0x3: {  	v4 =	vimm.s32 $0x210FEDCB;
	v5 =	vimm.s32 $0xA9876543;
	v15 =	vimm.s32 $0xCBA98765  }
0x4: {  	v51 =	vimm.s32 $0x543210FE;
	v17 =	vimm.s32 $0x6543210F;
	v18 =	vimm.s32 $0xEDCBA987  }
0x5: {  	v19 =	vimm.s32 $0xFEDCBA98;
	v20 =	vimm.s32 $0x76543210;
	v1 =	vunpack.c.l.s4.s8 v0  }
0x6: {  	v3 =	vunpack.c.l.s4.s8 v3;
	v4 =	vunpack.c.l.s4.s8 v4;
	v49 =	vunpack.c.l.s4.s8 v15  }
0x7: {  	v17 =	vunpack.c.l.s4.s8 v17;
	v18 =	vunpack.c.l.s4.s8 v18;
	v19 =	vunpack.c.l.s4.s8 v19  }
0x8: {  	v7 =	vunpack.c.0.s8.s32 v1;
	v1 =	vunpack.c.l.s4.s8 v2;
	v2 =	vimm.s32 $0x10FEDCBA  }
0x9: {  	v10 =	vunpack.c.0.s8.s32 v3;
	v11 =	vunpack.c.0.s8.s32 v4;
	v16 =	vunpack.c.0.s8.s32 v49  }
0xa: {  	v4 =	vunpack.c.l.s4.s8 v51;
	v17 =	vunpack.c.0.s8.s32 v17;
	v18 =	vunpack.c.0.s8.s32 v18  }
0xb: {  	v19 =	vunpack.c.0.s8.s32 v19;
	v2 =	vunpack.c.l.s4.s8 v2;
	v8 =	vunpack.c.0.s8.s32 v1  }
0xc: {  	v1 =	vunpack.c.l.s4.s8 v5;
	v21 =	vunpack.c.0.s8.s32 v4;
	v23 =	vcombine.low v18, v17  }
0xd: {  	v19 =	vand.u32 $0xF, v19;
	v9 =	vunpack.c.0.s8.s32 v2;
	v2 =	vimm.s32 $0x3210FEDC  }
0xe: {  	v12 =	vunpack.c.0.s8.s32 v1;
	v1 =	vunpack.c.l.s4.s8 v2;
	v2 =	vimm.s32 $0xBA987654  }
0xf: {  	v3 =	vcombine.low v8, v7;
	v54 =	vcombine.low v7, v8;
	v63 =	vand.u32 $0xF, v23  }
0x10: {  	s6 =	rddreg [dreg:$0x0];
	v47 =	vcombine.low v10, v9;
	v13 =	vunpack.c.0.s8.s32 v1;
	v1 =	vimm.s32 $0x43210FED  }
0x11: {  	s5 =	rddreg [dreg:$0x1];
	s1 =	srdreg.scid;
	v2 =	vunpack.c.l.s4.s8 v2;
	v10 =	vcombine.low v9, v10;
	v6 =	vunpack.c.l.s4.s8 v1  }
0x12: {  	s2 =	rddreg [dreg:$0x2];
	s0 =	stileid.u32;
	s3 =	simm.s32 $0x0;
	v48 =	vcombine.low v12, v11;
	v57 =	vand.u32 $0xF, v3;
	v11 =	vcombine.low v11, v12  }
0x13: {  	s10 =	simm.s32 $0x8000;
	s11 =	simm.s32 $0xC00;
	s12 =	simm.s32 $0x8;
	v14 =	vunpack.c.0.s8.s32 v2;
	v15 =	vunpack.c.0.s8.s32 v6;
	v6 =	vimm.s32 $0xDCBA9876  }
0x14: {  	s13 =	simm.s32 $0x80;
	s14 =	simm.s32 $0x1000;
	s15 =	simm.s32 $0x5000;
	v0 =	vand.u32 $0xF, v54;
	v55 =	vand.u32 $0xF, v47;
	v6 =	vunpack.c.l.s4.s8 v6  }
0x15: {  	s16 =	simm.s32 $0x100;
	s17 =	simm.s32 $0x9000;
	s18 =	simm.s32 $0x7;
	v1 =	vand.u32 $0xF, v10;
	v58 =	vand.u32 $0xF, v48;
	v12 =	vcombine.low v13, v14  }
0x16: {  	s19 =	simm.s32 $0x6;
	s4 =	sand.u32 $0x1, s1;
	s1 =	rddreg [dreg:$0x3];
	v50 =	vcombine.low v14, v13;
	v52 =	vcombine.low v16, v15;
	v22 =	vunpack.c.0.s8.s32 v6  }
0x17: {  	s7 =	sshll.u32 s0, $0xB;
	[smem:$0x7FF] =	sst s3;
	s8 =	sshll.u32 s4, $0xA;
	v13 =	vcombine.low v15, v16;
	v15 =	vcombine.low v17, v18;
	v6 =	vunpack.c.l.s4.s8 v20  }
0x18: {  	s9 =	ssub.s32 $0x2, s4;
	_ =	strace $0x80000047;
	s4 =	sor.u32 s8, s7;
	[tilespmem:$0x1FFD0] =	vst v0;
	v2 =	vand.u32 $0xF, v11;
	v59 =	vand.u32 $0xF, v50;
	v14 =	vcombine.low v21, v22  }
0x19: {  	s20 =	simm.s32 $0x0;
	s31 =	sshrl.u32 s9, $0x1;
	s8 =	sshrl.u32 s4, $0x3;
	[tilespmem:$0x1FFC0] =	vst v55;
	v11 =	vmovc v1;
	v1 =	vand.u32 $0xF, v12;
	v12 =	vmovc v2;
	v6 =	vunpack.c.0.s8.s32 v6;
	v53 =	vcombine.low v22, v21  }
0x1a: {  	s6 =	sadd.s32 $0x400, s6;
	s9 =	ssub.s32 s9, s31;
	s5 =	sadd.s32 s5, s8;
	v60 =	vand.u32 $0xF, v52;
	v13 =	vand.u32 $0xF, v13;
	[tilespmem:$0x1FFF0] =	vst v12;
	v2 =	vand.u32 $0xF, v14  }
0x1b: {  	s8 =	smax.u32 s9, $0x1;
	s9 =	simm.s32 $0x400;
	s7 =	sadd.s32 $0x3000, s5;
	v8 =	vand.u32 $0xF, v15;
	v15 =	vmovc v1;
	v61 =	vcombine.low v19, v6;
	v62 =	vand.u32 $0xF, v53;
	[tilespmem:$0x1FFE0] =	vst v2  }
.LBB2_1:
0x1c: {  	[tilespmem:s3], [sflag:$0x8] =	stream.strided.gather [hbm4b:s5+s9], $0xC00, s10, s9, $0x38;
	[tilespmem:$0x1D000] =	vst v63  }
0x1d: {  	_ = 	snop  }
0x1e: {  	[tilespmem:s11], [sflag:$0x8] =	stream.linear.gather [hbm4b:s7+s3], $0x100, $0x38;
	[tilespmem:$0x1D000] =	vst v63  }
0x1f: {  	_ =	swait.ge [sflag:s12], $0xD00  }
0x20: {  	[sflag:s12] =	ssyncset.done $0x0  }
0x21: {  	[sflag:s12] =	ssyncadd.s32 $0xFFFFF300  }
0x22: {  	[tilespmem:s14], [sflag:$0x1] =	stream.indirect.gather [hbm4b:s6+s13], $0x80, s3, s13, $0xb8;
	[tilespmem:$0x1D000] =	vst v63  }
0x23: {  	_ = 	snop  }
0x24: {  	[tilespmem:s15], [sflag:$0x2] =	stream.indirect.gather [hbm4b:s6+s13], $0x80, s13, s13, $0xb8;
	[tilespmem:$0x1D000] =	vst v63  }
0x25: {  	s21 =	simm.s32 $0x0  }
0x26: {  	[tilespmem:s17], [sflag:$0x3] =	stream.indirect.gather [hbm4b:s6+s13], $0x80, s16, s13, $0xb8;
	[tilespmem:$0x1D000] =	vst v63  }
.LBB2_2:
0x27: {  	s22 =	smul.u32 $0xAB, s21;
	_ =	sdelay $0x1  }
0x28: {  	s22 =	sshrl.u32 s22, $0x9  }
0x29: {  	s22 =	sand.u32 $0x7F, s22  }
0x2a: {  	s22 =	smul.u32 $0x3, s22;
	_ =	sdelay $0x1  }
0x2b: {  	s23 =	simm.s32 $0x0;
	s22 =	ssub.s32 s21, s22  }
0x2c: {  	p0 =	slt.u32 s21, $0x3;
	s24 =	sand.u32 $0x70, s23;
	s22 =	sand.u32 $0xFF, s22  }
0x2d: {  	s25 =	sand.u32 $0x70, s23;
	v50 =	vor.u32 s24, v56;
	s23 =	sadd.s32 @!p0 $0x5, s22  }
0x2e: {  	v22 =	vor.u32 s25, v58;
	v17 =	vshll.u32 v50, $0x7;
	_ =	swait.ge @!p0 [sflag:s23], $0x4000  }
0x2f: {  	s28 =	sand.u32 $0x3, s21;
	v20 =	vor.u32 v22, v17;
	[sflag:s23] =	ssyncset.done @!p0 $0x0  }
0x30: {  	s30 =	sadd.s32 $0x1, s28;
	[sflag:s23] =	ssyncadd.s32 @!p0 $0xFFFFC000  }
0x31: {  	_ =	swait.ge [sflag:s30], $0x4000  }
0x32: {  	s24 =	sshll.u32 s28, $0xE;
	[sflag:s30] =	ssyncset.done $0x0  }
0x33: {  	v19 =	vor.u32 s25, v56;
	s23 =	sor.u32 $0x1000, s24;
	[sflag:s30] =	ssyncadd.s32 $0xFFFFC000  }
0x34: {  	v27 =	vor.u32 s25, v62;
	v16 =	vor.u32 v19, v17;
	v4 =	vld.idx.msk [tilespmem:v20+s23+$0x0], $0xffff  }
0x35: {  	v24 =	vor.u32 s25, v61;
	v31 =	vor.u32 s25, v57;
	v35 =	vor.u32 v27, v17  }
0x36: {  	v18 =	vor.u32 s25, v55;
	v21 =	vor.u32 s25, v59;
	v28 =	vor.u32 s25, v8  }
0x37: {  	v23 =	vor.u32 s25, v60;
	v25 =	vor.u32 s25, v63;
	v30 =	vor.u32 s25, v11  }
0x38: {  	v32 =	vor.u32 s25, v12;
	v34 =	vor.u32 s25, v13;
	v39 =	vor.u32 s25, v15  }
0x39: {  	v36 =	vor.u32 s25, v0;
	v42 =	vor.u32 s25, v2;
	v26 =	vor.u32 v24, v17;
	v52 =	vld.idx.msk [tilespmem:v16+s23+$0x0], $0xffff;
	[tilespmem:$0x1FFA0] =	vst v4  }
0x3a: {  	v37 =	vshll.u32 v18, $0x7;
	v46 =	vshll.u32 v21, $0x7;
	v33 =	vor.u32 v28, v17;
	v0 =	vld.idx.msk [tilespmem:v35+s23+$0x0], $0xffff  }
0x3b: {  	v54 =	vshll.u32 v42, $0x7;
	v40 =	vor.u32 v34, v17;
	v43 =	vor.u32 v39, v17  }
0x3c: {  	v41 =	vor.u32 v30, v17;
	v45 =	vor.u32 v42, v17;
	v44 =	vor.u32 v36, v17  }
0x3d: {  	v49 =	vor.u32 v18, v17;
	v5 =	vor.u32 v32, v17;
	v47 =	vor.u32 v21, v17  }
0x3e: {  	v48 =	vor.u32 v23, v17;
	v29 =	vld.idx.msk [tilespmem:v26+s23+$0x0], $0xffff;
	v26 =	vshll.u32 v27, $0x7;
	v27 =	vor.u32 v25, v17  }
0x3f: {  	v22 =	vshll.u32 v22, $0x7;
	v38 =	vor.u32 v50, v37;
	v51 =	vor.u32 v31, v17;
	v14 =	vld.idx.msk [tilespmem:v33+s23+$0x0], $0xffff;
	[tilespmem:$0x1FFB0] =	vst v0  }
0x40: {  	v37 =	vor.u32 v50, v46;
	v46 =	vshll.u32 v36, $0x7;
	v19 =	vshll.u32 v19, $0x7;
	v16 =	vld.idx.msk [tilespmem:v40+s23+$0x0], $0xffff  }
0x41: {  	v32 =	vshll.u32 v32, $0x7;
	v24 =	vshll.u32 v24, $0x7;
	v34 =	vshll.u32 v34, $0x7;
	v17 =	vld.idx.msk [tilespmem:v41+s23+$0x0], $0xffff  }
0x42: {  	v28 =	vshll.u32 v28, $0x7;
	v35 =	vor.u32 v50, v22;
	v22 =	vshll.u32 v23, $0x7;
	v23 =	vld.idx.msk [tilespmem:v44+s23+$0x0], $0xffff  }
0x43: {  	s25 =	simm.s32 $0x2;
	v53 =	vor.u32 v50, v19;
	v19 =	vshll.u32 v30, $0x7;
	v42 =	vor.u32 v50, v24;
	v36 =	vld.idx.msk [tilespmem:v27+s23+$0x0], $0xffff  }
0x44: {  	s29 =	sand.u32 $0x70, s25;
	v24 =	vor.u32 v50, v54;
	v34 =	vor.u32 v50, v34;
	v40 =	vor.u32 v50, v22;
	v22 =	vld.idx.msk [tilespmem:v5+s23+$0x0], $0xffff  }
0x45: {  	v28 =	vor.u32 v50, v28;
	v54 =	vshll.u32 v31, $0x7;
	v31 =	vor.u32 s29, v61;
	v44 =	vld.idx.msk [tilespmem:v47+s23+$0x0], $0xffff  }
0x46: {  	s31 =	simm.s32 $0x10;
	v30 =	vor.u32 v50, v19;
	v25 =	vshll.u32 v25, $0x7;
	v33 =	vor.u32 s29, v57;
	v19 =	vld.idx.msk [tilespmem:v45+s23+$0x0], $0xffff  }
0x47: {  	s24 =	sand.u32 $0x70, s31;
	v26 =	vor.u32 v50, v26;
	v27 =	vor.u32 v50, v46;
	v47 =	vshll.u32 v39, $0x7;
	v39 =	vld.idx.msk [tilespmem:v43+s23+$0x0], $0xffff  }
0x48: {  	s26 =	sshll.u32 s22, $0xE;
	v41 =	vor.u32 v50, v25;
	v25 =	vor.u32 v50, v32;
	v45 =	vor.u32 s24, v56;
	v49 =	vld.idx.msk [tilespmem:v49+s23+$0x0], $0xffff  }
0x49: {  	s24 =	sadd.s32 $0x11000, s26;
	v43 =	vor.u32 s29, v56;
	v32 =	vor.u32 v50, v47;
	v47 =	vld.idx.msk [tilespmem:v48+s23+$0x0], $0xffff;
	v46 =	vshll.u32 v45, $0x7  }
0x4a: {  	s26 =	simm.s32 $0x20;
	v48 =	vld.idx.msk [tilespmem:v51+s23+$0x0], $0xffff;
	[tilespmem:v53+s24+$0x0] =	vst.idx.msk $0xffff, v52;
	v50 =	vor.u32 v50, v54;
	v51 =	vor.u32 v43, v46  }
.LBB2_3:
0x4b: {  	_ = 	snop  }
0x4c: {  	v53 =	vor.u32 s29, v59;
	v54 =	vor.u32 s29, v8;
	v56 =	vor.u32 s29, v60  }
0x4d: {  	v18 =	vmovc v8;
	v8 =	vmovc v57;
	v57 =	vor.u32 s29, v63;
	v10 =	vmov v58;
	v9 =	vmov v16  }
0x4e: {  	v16 =	vmovc v11;
	v20 =	vmovc v17;
	v17 =	vmov v13;
	v21 =	vmov v14;
	v14 =	vmov v62;
	v4 =	vld [tilespmem:$0x1FFA0]  }
0x4f: {  	v1 =	vmovc v15;
	v52 =	vor.u32 s29, v55;
	v55 =	vmovc v45;
	v45 =	vor.u32 s29, v58;
	v58 =	vor.u32 s29, v11  }
0x50: {  	v2 =	vld.idx.msk [tilespmem:v51+s23+$0x0], $0xffff;
	v11 =	vmovc v59;
	v59 =	vor.u32 s29, v12;
	v12 =	vmovc v60;
	v60 =	vor.u32 s29, v13;
	v13 =	vmov v61  }
0x51: {  	v61 =	vor.u32 s29, v62;
	v62 =	vor.u32 s29, v15;
	v15 =	vmovc v63;
	[tilespmem:v50+s24+$0x0] =	vst.idx.msk $0xffff, v48;
	v63 =	vor.u32 v45, v46  }
0x52: {  	[tilespmem:v38+s24+$0x0] =	vst.idx.msk $0xffff, v49  }
0x53: {  	[tilespmem:v35+s24+$0x0] =	vst.idx.msk $0xffff, v4  }
0x54: {  	[tilespmem:v37+s24+$0x0] =	vst.idx.msk $0xffff, v44  }
0x55: {  	[tilespmem:v40+s24+$0x0] =	vst.idx.msk $0xffff, v47  }
0x56: {  	v6 =	vld.idx.msk [tilespmem:v63+s23+$0x0], $0xffff;
	_ =	sdelay $0x2  }
0x57: {  	v3 =	vld [tilespmem:$0x1FFE0]  }
0x58: {  	v0 =	vld [tilespmem:$0x1FFD0]  }
0x59: {  	[tilespmem:$0x1FFA0] =	vst v6;
	v6 =	vld [tilespmem:$0x1FFB0]  }
0x5a: {  	v51 =	vor.u32 v31, v46  }
0x5b: {  	v38 =	vor.u32 v54, v46  }
0x5c: {  	[tilespmem:$0x1FF90] =	vst v2;
	v2 =	vshll.u32 v52, $0x7;
	v48 =	vor.u32 s29, v3;
	v4 =	vor.u32 v61, v46  }
0x5d: {  	v50 =	vor.u32 v62, v46;
	v3 =	vor.u32 v60, v46;
	v52 =	vor.u32 v52, v46  }
0x5e: {  	v0 =	vor.u32 s29, v0;
	v5 =	vor.u32 v59, v46;
	v44 =	vor.u32 v58, v46;
	[tilespmem:v26+s24+$0x0] =	vst.idx.msk $0xffff, v6  }
0x5f: {  	v49 =	vor.u32 v48, v46;
	v6 =	vor.u32 v0, v46;
	v51 =	vld.idx.msk [tilespmem:v51+s23+$0x0], $0xffff;
	[tilespmem:v41+s24+$0x0] =	vst.idx.msk $0xffff, v36  }
0x60: {  	v45 =	vshll.u32 v45, $0x7;
	v61 =	vshll.u32 v61, $0x7;
	v63 =	vor.u32 v57, v46;
	v7 =	vld.idx.msk [tilespmem:v38+s23+$0x0], $0xffff;
	[tilespmem:v42+s24+$0x0] =	vst.idx.msk $0xffff, v29  }
0x61: {  	v35 =	vor.u32 v55, v45;
	v45 =	vshll.u32 v59, $0x7;
	v4 =	vld.idx.msk [tilespmem:v4+s23+$0x0], $0xffff;
	[tilespmem:v27+s24+$0x0] =	vst.idx.msk $0xffff, v23  }
0x62: {  	v48 =	vshll.u32 v48, $0x7;
	v37 =	vshll.u32 v53, $0x7;
	v47 =	vor.u32 v53, v46;
	v3 =	vld.idx.msk [tilespmem:v3+s23+$0x0], $0xffff;
	[tilespmem:v30+s24+$0x0] =	vst.idx.msk $0xffff, v20  }
0x63: {  	v26 =	vor.u32 v55, v61;
	v61 =	vmov v13;
	v13 =	vmov v17;
	v17 =	vld.idx.msk [tilespmem:v44+s23+$0x0], $0xffff;
	[tilespmem:v25+s24+$0x0] =	vst.idx.msk $0xffff, v22  }
0x64: {  	v53 =	vor.u32 v56, v46;
	v37 =	vor.u32 v55, v37;
	v23 =	vld.idx.msk [tilespmem:v6+s23+$0x0], $0xffff;
	[tilespmem:v32+s24+$0x0] =	vst.idx.msk $0xffff, v39  }
0x65: {  	s25 =	sadd.s32 $0x2, s25;
	v0 =	vshll.u32 v0, $0x7;
	v38 =	vor.u32 v55, v2;
	v2 =	vor.u32 v33, v46;
	v36 =	vld.idx.msk [tilespmem:v63+s23+$0x0], $0xffff  }
0x66: {  	s29 =	sand.u32 $0x70, s25;
	v42 =	vshll.u32 v56, $0x7;
	v46 =	vshll.u32 v31, $0x7;
	v63 =	vmovc v15;
	v15 =	vmovc v1;
	[tilespmem:v34+s24+$0x0] =	vst.idx.msk $0xffff, v9;
	v1 =	vshll.u32 v54, $0x7;
	v54 =	vld [tilespmem:$0x1FF90]  }
0x67: {  	v31 =	vor.u32 s29, v61;
	v27 =	vshll.u32 v43, $0x7;
	v44 =	vshll.u32 v58, $0x7;
	v22 =	vld.idx.msk [tilespmem:v5+s23+$0x0], $0xffff;
	[tilespmem:v24+s24+$0x0] =	vst.idx.msk $0xffff, v19  }
0x68: {  	v56 =	vlaneseq.u32;
	v40 =	vor.u32 v55, v42;
	v30 =	vor.u32 v55, v44;
	v44 =	vld.idx.msk [tilespmem:v47+s23+$0x0], $0xffff;
	[tilespmem:v28+s24+$0x0] =	vst.idx.msk $0xffff, v21  }
0x69: {  	s28 =	smov.u32 s26;
	v59 =	vmovc v11;
	v11 =	vmovc v16;
	v43 =	vshll.u32 v57, $0x7;
	v42 =	vor.u32 v55, v46;
	v47 =	vshll.u32 v62, $0x7;
	v19 =	vld.idx.msk [tilespmem:v49+s23+$0x0], $0xffff  }
0x6a: {  	p0 =	sne.s32 s26, $0x3F0;
	s28 =	sand.u32 $0x70, s28;
	v41 =	vor.u32 v55, v43;
	v6 =	vor.u32 v55, v27;
	v32 =	vor.u32 v55, v47;
	v47 =	vld.idx.msk [tilespmem:v53+s23+$0x0], $0xffff  }
.Ltmp0:
0x6b: {  	v57 =	vmovc v8;
	v25 =	vor.u32 v55, v45;
	v45 =	vor.u32 s28, v56;
	v53 =	vshll.u32 v60, $0x7;
	v60 =	vmovc v12;
	v12 =	vld [tilespmem:$0x1FFF0];
	(pc) =	sbr.rel @p0 .LBB2_3-.Ltmp0, $4  }
0x6c: {  	v8 =	vmovc v18;
	v43 =	vor.u32 s29, v56;
	v58 =	vmovc v10;
	v27 =	vor.u32 v55, v0;
	v46 =	vshll.u32 v45, $0x7;
	v39 =	vld.idx.msk [tilespmem:v50+s23+$0x0], $0xffff  }
0x6d: {  	v29 =	vmov v51;
	v51 =	vor.u32 v43, v46;
	[tilespmem:$0x1FFB0] =	vst v4;
	v24 =	vor.u32 v55, v48;
	v48 =	vld.idx.msk [tilespmem:v2+s23+$0x0], $0xffff  }
0x6e: {  	v5 =	vshll.u32 v33, $0x7;
	v33 =	vor.u32 s29, v57;
	v62 =	vmovc v14;
	v14 =	vmovc v7;
	v28 =	vor.u32 v55, v1;
	v49 =	vld.idx.msk [tilespmem:v52+s23+$0x0], $0xffff  }
0x6f: {  	s26 =	sadd.s32 $0x10, s26;
	v16 =	vmov v3;
	v50 =	vor.u32 v55, v5;
	v34 =	vor.u32 v55, v53;
	v55 =	vld [tilespmem:$0x1FFC0];
	[tilespmem:v6+s24+$0x0] =	vst.idx.msk $0xffff, v54  }
0x70: {  	_ =	sdelay $0x3  }
0x71: {  	[tilespmem:v50+s24+$0x0] =	vst.idx.msk $0xffff, v48  }
0x72: {  	v9 =	vld [tilespmem:$0x1FFD0];
	[tilespmem:v38+s24+$0x0] =	vst.idx.msk $0xffff, v49  }
0x73: {  	v10 =	vld [tilespmem:$0x1FFA0]  }
0x74: {  	v3 =	vor.u32 v31, v46  }
0x75: {  	v54 =	vor.u32 v33, v46  }
0x76: {  	v0 =	vor.u32 s29, v58  }
0x77: {  	v1 =	vor.u32 v0, v46  }
0x78: {  	v2 =	vor.u32 s29, v8;
	v51 =	vld.idx.msk [tilespmem:v51+s23+$0x0], $0xffff;
	[tilespmem:v35+s24+$0x0] =	vst.idx.msk $0xffff, v10  }
0x79: {  	v4 =	vor.u32 s29, v62;
	v5 =	vor.u32 v2, v46;
	v3 =	vld.idx.msk [tilespmem:v3+s23+$0x0], $0xffff;
	[tilespmem:v37+s24+$0x0] =	vst.idx.msk $0xffff, v44  }
0x7a: {  	v6 =	vor.u32 s29, v13;
	v7 =	vor.u32 v4, v46;
	v54 =	vld.idx.msk [tilespmem:v54+s23+$0x0], $0xffff;
	[tilespmem:v40+s24+$0x0] =	vst.idx.msk $0xffff, v47  }
0x7b: {  	v53 =	vor.u32 v6, v46;
	v48 =	vor.u32 s29, v9;
	v18 =	vld [tilespmem:$0x1FFB0]  }
0x7c: {  	v38 =	vor.u32 s29, v63;
	v1 =	vld.idx.msk [tilespmem:v1+s23+$0x0], $0xffff;
	v49 =	vor.u32 v48, v46  }
0x7d: {  	v20 =	vor.u32 s29, v12;
	v35 =	vor.u32 v38, v46;
	v10 =	vld [tilespmem:$0x1FFE0]  }
0x7e: {  	v5 =	vld.idx.msk [tilespmem:v5+s23+$0x0], $0xffff;
	v44 =	vor.u32 v20, v46  }
0x7f: {  	v7 =	vld.idx.msk [tilespmem:v7+s23+$0x0], $0xffff;
	v37 =	vor.u32 s29, v59  }
0x80: {  	v52 =	vor.u32 s29, v11;
	v53 =	vld.idx.msk [tilespmem:v53+s23+$0x0], $0xffff;
	v47 =	vor.u32 v37, v46;
	[tilespmem:v26+s24+$0x0] =	vst.idx.msk $0xffff, v18  }
0x81: {  	v50 =	vor.u32 v52, v46;
	v49 =	vld.idx.msk [tilespmem:v49+s23+$0x0], $0xffff;
	[tilespmem:v41+s24+$0x0] =	vst.idx.msk $0xffff, v36;
	v36 =	vor.u32 s29, v55  }
0x82: {  	v35 =	vld.idx.msk [tilespmem:v35+s23+$0x0], $0xffff;
	v40 =	vor.u32 s29, v10;
	[tilespmem:v42+s24+$0x0] =	vst.idx.msk $0xffff, v29;
	v42 =	vor.u32 v36, v46  }
0x83: {  	v44 =	vld.idx.msk [tilespmem:v44+s23+$0x0], $0xffff;
	v21 =	vor.u32 v40, v46;
	v29 =	vor.u32 s29, v60;
	[tilespmem:v27+s24+$0x0] =	vst.idx.msk $0xffff, v23;
	v23 =	vor.u32 s29, v15  }
0x84: {  	v27 =	vor.u32 v29, v46;
	[tilespmem:v30+s24+$0x0] =	vst.idx.msk $0xffff, v17;
	v17 =	vor.u32 v23, v46;
	v46 =	vshll.u32 v43, $0x7  }
0x85: {  	v43 =	vld.idx.msk [tilespmem:v47+s23+$0x0], $0xffff;
	v47 =	vshll.u32 v33, $0x7;
	[tilespmem:v25+s24+$0x0] =	vst.idx.msk $0xffff, v22;
	v22 =	vor.u32 v45, v46  }
0x86: {  	v26 =	vld.idx.msk [tilespmem:v50+s23+$0x0], $0xffff;
	v50 =	vshll.u32 v36, $0x7;
	v25 =	vor.u32 v45, v47;
	[tilespmem:v32+s24+$0x0] =	vst.idx.msk $0xffff, v39  }
0x87: {  	v0 =	vshll.u32 v0, $0x7;
	v36 =	vor.u32 v45, v50;
	[tilespmem:v34+s24+$0x0] =	vst.idx.msk $0xffff, v16;
	v39 =	vld.idx.msk [tilespmem:v42+s23+$0x0], $0xffff  }
0x88: {  	v0 =	vor.u32 v45, v0;
	v41 =	vshll.u32 v37, $0x7;
	v21 =	vld.idx.msk [tilespmem:v21+s23+$0x0], $0xffff;
	[tilespmem:v24+s24+$0x0] =	vst.idx.msk $0xffff, v19  }
0x89: {  	v46 =	vshll.u32 v29, $0x7;
	v16 =	vor.u32 v45, v41;
	v42 =	vld.idx.msk [tilespmem:v27+s23+$0x0], $0xffff;
	[tilespmem:v28+s24+$0x0] =	vst.idx.msk $0xffff, v14  }
0x8a: {  	v4 =	vshll.u32 v4, $0x7;
	v19 =	vor.u32 v45, v46;
	v17 =	vld.idx.msk [tilespmem:v17+s23+$0x0], $0xffff;
	[tilespmem:v22+s24+$0x0] =	vst.idx.msk $0xffff, v51  }
0x8b: {  	v4 =	vor.u32 v45, v4;
	v47 =	vshll.u32 v38, $0x7;
	[tilespmem:v25+s24+$0x0] =	vst.idx.msk $0xffff, v54  }
0x8c: {  	v50 =	vor.u32 v45, v47;
	v51 =	vshll.u32 v31, $0x7;
	[tilespmem:v36+s24+$0x0] =	vst.idx.msk $0xffff, v39  }
0x8d: {  	[tilespmem:v0+s24+$0x0] =	vst.idx.msk $0xffff, v1;
	v0 =	vshll.u32 v48, $0x7;
	v1 =	vor.u32 v45, v51  }
0x8e: {  	[tilespmem:v16+s24+$0x0] =	vst.idx.msk $0xffff, v43;
	v0 =	vor.u32 v45, v0;
	v16 =	vshll.u32 v52, $0x7  }
0x8f: {  	v52 =	vshll.u32 v20, $0x7;
	[tilespmem:v19+s24+$0x0] =	vst.idx.msk $0xffff, v42;
	v16 =	vor.u32 v45, v16  }
0x90: {  	v54 =	vor.u32 v45, v52;
	[tilespmem:v4+s24+$0x0] =	vst.idx.msk $0xffff, v7;
	v7 =	vshll.u32 v23, $0x7  }
0x91: {  	v6 =	vshll.u32 v6, $0x7;
	[tilespmem:v50+s24+$0x0] =	vst.idx.msk $0xffff, v35;
	v7 =	vor.u32 v45, v7  }
0x92: {  	[tilespmem:v1+s24+$0x0] =	vst.idx.msk $0xffff, v3;
	v1 =	vshll.u32 v40, $0x7;
	v3 =	vor.u32 v45, v6  }
0x93: {  	[tilespmem:v0+s24+$0x0] =	vst.idx.msk $0xffff, v49;
	v0 =	vor.u32 v45, v1;
	v1 =	vshll.u32 v2, $0x7  }
0x94: {  	[tilespmem:v16+s24+$0x0] =	vst.idx.msk $0xffff, v26;
	v1 =	vor.u32 v45, v1  }
0x95: {  	[tilespmem:v54+s24+$0x0] =	vst.idx.msk $0xffff, v44  }
0x96: {  	s31 =	sshll.u32 s21, $0x13;
	[tilespmem:v7+s24+$0x0] =	vst.idx.msk $0xffff, v17  }
0x97: {  	s23 =	sor.u32 s4, s31;
	[tilespmem:v3+s24+$0x0] =	vst.idx.msk $0xffff, v53  }
0x98: {  	s23 =	sshrl.u32 s23, $0x3;
	[tilespmem:v0+s24+$0x0] =	vst.idx.msk $0xffff, v21  }
0x99: {  	s22 =	sadd.s32 $0x5, s22;
	p0 =	sgt.u32 s21, $0x16;
	s23 =	sadd.s32 s2, s23;
	[tilespmem:v1+s24+$0x0] =	vst.idx.msk $0xffff, v5  }
0x9a: {  	[hbm4b:s23+s9] =	stream.strided.scatter [tilespmem:s24], [sflag:s22], $0x4000, s10, s9, $0x38;
	[tilespmem:$0x1D000] =	vst v63  }
0x9b: {  	s22 =	sadd.s32 @!p0 $0x3, s21  }
0x9c: {  	s25 =	simm.s32 @!p0 $0x80;
	s23 =	sand.u32 @!p0 $0x3, s22  }
0x9d: {  	s21 =	sadd.s32 $0x1, s21;
	s22 =	sshll.u32 @!p0 s22, $0x7;
	s24 =	sshll.u32 @!p0 s23, $0xE  }
0x9e: {  	s22 =	sand.u32 @!p0 $0x3FFFFF80, s22;
	s23 =	sadd.s32 @!p0 $0x1, s23;
	s24 =	sor.u32 @!p0 $0x1000, s24  }
0x9f: {  	[tilespmem:s24], [sflag:s23] =	stream.indirect.gather @!p0 [hbm4b:s6+s25], $0x80, s22, s25, $0xb8;
	[tilespmem:$0x1D000] =	vst v63  }
0xa0: {  	p0 =	sne.s32 s21, $0x1A  }
.Ltmp1:
0xa1: {  	_ = 	snop;
	(pc) =	sbr.rel @p0 .LBB2_2-.Ltmp1, $2  }
0xa2: {  	_ =	sdelay $0x2  }
0xa3: {  	v2 =	vmov v10;
	v0 =	vmov v9  }
0xa4: {  	s20 =	sadd.s32 $0x1, s20  }
0xa5: {  	_ =	swait.ge [sflag:s18], $0x4000;
	p0 =	sne.s32 s20, s8  }
.Ltmp2:
0xa6: {  	[sflag:s18] =	ssyncset.done $0x0;
	(pc) =	sbr.rel @p0 .LBB2_1-.Ltmp2, $4  }
0xa7: {  	[sflag:s18] =	ssyncadd.s32 $0xFFFFC000  }
0xa8: {  	_ =	swait.ge [sflag:s19], $0x4000  }
0xa9: {  	[sflag:s19] =	ssyncset.done $0x0  }
0xaa: {  	[sflag:s19] =	ssyncadd.s32 $0xFFFFC000  }
0xab: {  	_ =	sfence.sel $0x180000  }
0xac: {  	[bflag:$0x0] =	sbarrier.arrive $0xFFFF  }
0xad: {  	p0 =	sne.s32 s0, $0x0;
	_ =	strace $0x90000047  }
0xae: {  	s0 =	sadd.s32 @!p0 $0x100000, s1;
	[bflag:$0x2] =	sbarrier.arrive $0xFFFF  }
0xaf: {  	[sflag:s0] =	ssyncadd.tile.s32 @!p0 $0x1;
	_ =	shalt  }
.Lfunc_end2:
_tile_overlayer_lowered:
.L_overlay_start_2:
0xb0: {  	(tag) =	ssettag $0x2  }
0xb1: {  	s0 =	rddreg [dreg:$0x0];
	s2 =	stileid.u32  }
0xb2: {  	s1 =	rddreg [dreg:$0x1];
	p0 =	sne.s32 s2, $0x0  }
0xb3: {  	s3 =	rddreg [dreg:$0x2];
	[bflag:$0x3] =	sbarrier.arrive $0xFFFF;
	s2 =	simm.s32 @!p0 $0x1C08  }
0xb4: {  	[timem:s3], [sflag:s2] =	dma.local @!p0 [hbm:s0], s1  }
0xb5: {  	s0 =	simm.s32 @!p0 $0x8  }
0xb6: {  	_ =	swait.ge @!p0 [sflag:s0], s1  }
0xb7: {  	s1 =	ssub.s32 @!p0 $0x0, s1;
	[sflag:s0] =	ssyncset.done @!p0 $0x0  }
0xb8: {  	[sflag:s0] =	ssyncadd.s32 @!p0 s1  }
0xb9: {  	[bflag:$0x3] =	sbarrier.arrive $0xFFFF  }
0xba: {  	_ =	shalt  }

</sc_bundles>
